<compile_context>
chip_gen: v7x
topology: tpu7x:2x2x1
jax: 0.10.2.dev20260603
libtpu: 0.0.44.dev20260713+nightly
codegen_flags: <defaults>
</compile_context>

<pallas_src>
import functools

import jax
import jax.numpy as jnp
from jax import lax
from jax.experimental import pallas as pl
from jax.experimental.pallas import tpu as pltpu
from jax.experimental.pallas import tpu_sc as plsc

NC = 2
NS = 16
NW = NC * NS
L = 16
CHUNK = 128


NSLOT = 2


def _agg_body(nchunk, rows_z, table, srcp, dstp, zeros_hbm, out,
              srcv, dstv, rows0, rows1, acc, sem0, sem1):
  cid = lax.axis_index("c")
  sid = lax.axis_index("s")
  wid = cid * NS + sid

  pltpu.sync_copy(srcp.at[wid], srcv)
  pltpu.sync_copy(dstp.at[wid], dstv)

  pltpu.sync_copy(zeros_hbm, acc.at[pl.ds(sid * rows_z, rows_z)])
  plsc.subcore_barrier()

  pltpu.async_copy(table.at[srcv.at[0]], rows0, sem0)
  pltpu.async_copy(table.at[srcv.at[1]], rows1, sem1)

  def body(c2, carry):
    c = 2 * c2
    pltpu.make_async_copy(table.at[srcv.at[c]], rows0, sem0).wait()
    pltpu.sync_copy(rows0, acc.at[dstv.at[c]], add=True)
    pltpu.async_copy(table.at[srcv.at[c + 2]], rows0, sem0)
    pltpu.make_async_copy(table.at[srcv.at[c + 1]], rows1, sem1).wait()
    pltpu.sync_copy(rows1, acc.at[dstv.at[c + 1]], add=True)
    pltpu.async_copy(table.at[srcv.at[c + 3]], rows1, sem1)
    return carry
  lax.fori_loop(0, nchunk // 2, body, 0)

  pltpu.make_async_copy(table.at[srcv.at[nchunk]], rows0, sem0).wait()
  pltpu.make_async_copy(table.at[srcv.at[nchunk + 1]], rows1, sem1).wait()

  plsc.subcore_barrier()
  pltpu.sync_copy(acc.at[pl.ds(sid * rows_z, rows_z)],
                  out.at[cid, pl.ds(sid * rows_z, rows_z)])


def _make_agg(n_acc, nchunk, rows_z):
  return pl.kernel(
      functools.partial(_agg_body, nchunk, rows_z),
      out_type=jax.ShapeDtypeStruct((NC, n_acc, L), jnp.float32),
      mesh=plsc.VectorSubcoreMesh(core_axis_name="c", subcore_axis_name="s"),
      compiler_params=pltpu.CompilerParams(use_tc_tiling_on_sc=False),
      scratch_types=[
          pltpu.VMEM((nchunk + NSLOT, CHUNK), jnp.int32),
          pltpu.VMEM((nchunk + NSLOT, CHUNK), jnp.int32),
          pltpu.VMEM((CHUNK, L), jnp.float32),
          pltpu.VMEM((CHUNK, L), jnp.float32),
          pltpu.VMEM_SHARED((n_acc, L), jnp.float32),
          pltpu.SemaphoreType.DMA,
          pltpu.SemaphoreType.DMA,
      ],
  )


def _proj_body(x_ref, w_ref, y_ref):
  y_ref[...] = jnp.dot(x_ref[...], w_ref[...],
                       precision=jax.lax.Precision.HIGHEST,
                       preferred_element_type=jnp.float32)


def _mlp1_body(eps_ref, y_ref, a0_ref, a1_ref, b1_ref, w2_ref, b2_ref,
               w3_ref, z_ref):
  e = 1.0 + eps_ref[0]
  hp = e * y_ref[...] + a0_ref[...] + a1_ref[...] + b1_ref[...]
  h = jnp.maximum(hp, 0.0)
  x1 = jnp.maximum(
      jnp.dot(h, w2_ref[...], precision=jax.lax.Precision.HIGHEST,
              preferred_element_type=jnp.float32)
      + b2_ref[...], 0.0)
  z_ref[...] = jnp.dot(x1, w3_ref[...], precision=jax.lax.Precision.HIGHEST,
                       preferred_element_type=jnp.float32)


def _mlp2_body(eps_ref, z_ref, a0_ref, a1_ref, b3_ref, w4_ref, b4_ref,
               o_ref):
  e = 1.0 + eps_ref[0]
  hp = e * z_ref[...] + a0_ref[...] + a1_ref[...] + b3_ref[...]
  g = jnp.maximum(hp, 0.0)
  o = jnp.dot(g, w4_ref[...], precision=jax.lax.Precision.HIGHEST,
              preferred_element_type=jnp.float32) + b4_ref[...]
  m = jnp.max(o, axis=1, keepdims=True)
  s = o - m
  o_ref[...] = s - jnp.log(jnp.sum(jnp.exp(s), axis=1, keepdims=True))


def _smem_first_specs(n):
  return [pl.BlockSpec(memory_space=pltpu.SMEM)] + \
         [pl.BlockSpec(memory_space=pltpu.VMEM)] * (n - 1)


@jax.jit
def kernel(x, edge_index, eps1, W1, b1, W2, b2, eps2, W3, b3, W4, b4):
  n, f_in = x.shape
  e = edge_index.shape[1]
  h = W1.shape[1]

  nchunk = -(-e // (NW * CHUNK * NSLOT)) * NSLOT
  ept = nchunk * CHUNK
  e_pad = NW * ept
  rows_z = -(-(n + 1) // (NS * 8)) * 8
  n_acc = NS * rows_z

  src = edge_index[0]
  dst = edge_index[1]
  pad = e_pad - e
  extra = jnp.zeros((NW, NSLOT, CHUNK), jnp.int32)
  srcp = jnp.concatenate([
      jnp.concatenate([src, jnp.zeros((pad,), jnp.int32)]).reshape(
          NW, nchunk, CHUNK), extra], axis=1)
  dstp = jnp.concatenate([
      jnp.concatenate([dst, jnp.full((pad,), n, jnp.int32)]).reshape(
          NW, nchunk, CHUNK), extra + n], axis=1)
  zrows = jnp.zeros((rows_z, L), jnp.float32)

  agg = _make_agg(n_acc, nchunk, rows_z)

  y = pl.pallas_call(
      _proj_body,
      out_shape=jax.ShapeDtypeStruct((n, h), jnp.float32),
  )(x, W1)

  ay = agg(y, srcp, dstp, zrows)

  z = pl.pallas_call(
      _mlp1_body,
      out_shape=jax.ShapeDtypeStruct((n, h), jnp.float32),
      in_specs=_smem_first_specs(8),
  )(eps1.reshape(1), y, ay[0, :n], ay[1, :n], b1.reshape(1, h), W2,
    b2.reshape(1, h), W3)

  az = agg(z, srcp, dstp, zrows)

  c = W4.shape[1]
  out = pl.pallas_call(
      _mlp2_body,
      out_shape=jax.ShapeDtypeStruct((n, c), jnp.float32),
      in_specs=_smem_first_specs(7),
  )(eps2.reshape(1), z, az[0, :n], az[1, :n], b3.reshape(1, c), W4,
    b4.reshape(1, c))
  return out

# --- scband reference (transcript-rebuilt; emitter-appended) ---
"""Pipeline reference for scband-gin-31112743092746 (READ-ONLY COPY).

The authoritative reference and input builder live on the scoring server;
editing this copy changes nothing except your own understanding.
"""

import jax, jax.numpy as jnp
import numpy as np

N = 10000
E = 320000
F_IN = 128
H = 16
C = 16


def setup_inputs(seed: int = 0) -> dict:
    key = jax.random.key(seed)
    ks = jax.random.split(key, 12)
    x = jax.random.normal(ks[0], (N, F_IN), dtype=jnp.float32)
    edge_index = jax.random.randint(ks[1], (2, E), 0, N, dtype=jnp.int32)
    # conv1 MLP: Linear(F_IN, H) -> ReLU -> Linear(H, H)
    W1 = jax.random.normal(ks[2], (F_IN, H), dtype=jnp.float32) / np.sqrt(F_IN)
    b1 = jnp.zeros((H,), dtype=jnp.float32)
    W2 = jax.random.normal(ks[3], (H, H), dtype=jnp.float32) / np.sqrt(H)
    b2 = jnp.zeros((H,), dtype=jnp.float32)
    eps1 = jnp.zeros((), dtype=jnp.float32)
    # conv2 MLP: Linear(H, C) -> ReLU -> Linear(C, C)
    W3 = jax.random.normal(ks[4], (H, C), dtype=jnp.float32) / np.sqrt(H)
    b3 = jnp.zeros((C,), dtype=jnp.float32)
    W4 = jax.random.normal(ks[5], (C, C), dtype=jnp.float32) / np.sqrt(C)
    b4 = jnp.zeros((C,), dtype=jnp.float32)
    eps2 = jnp.zeros((), dtype=jnp.float32)
    return {"x": x, "edge_index": edge_index, "eps1": eps1, "W1": W1, "b1": b1,
            "W2": W2, "b2": b2, "eps2": eps2, "W3": W3, "b3": b3, "W4": W4, "b4": b4}


def reference(x, edge_index, eps1, W1, b1, W2, b2, eps2, W3, b3, W4, b4):
    n = x.shape[0]
    src = edge_index[0]
    dst = edge_index[1]
    # GINConv 1: out = MLP((1+eps)*x + sum_{j in N(i)} x_j)
    agg1 = jnp.zeros((n, x.shape[1]), dtype=x.dtype).at[dst].add(x[src])
    h = (1.0 + eps1) * x + agg1
    h = jax.nn.relu(h @ W1 + b1) @ W2 + b2
    x1 = jax.nn.relu(h)
    # dropout is identity in eval mode
    # GINConv 2
    agg2 = jnp.zeros((n, x1.shape[1]), dtype=x1.dtype).at[dst].add(x1[src])
    h2 = (1.0 + eps2) * x1 + agg2
    h2 = jax.nn.relu(h2 @ W3 + b3) @ W4 + b4
    return jax.nn.log_softmax(h2, axis=1)

if __name__ == "__main__":
    import jax
    _d = setup_inputs()
    print(jax.jit(kernel)(*tuple(_d.values())))

</pallas_src>

<mosaic_0001>
#map = affine_map<(d0, d1) -> (0, 0)>
#map1 = affine_map<(d0, d1) -> (0, 0, 0)>
module attributes {stable_mosaic.version = 14 : i64} {
  func.func @_agg_body(%arg0: i32, %arg1: i32, %arg2: memref<10000x16xf32, #tpu.memory_space<hbm>>, %arg3: memref<32x82x128xi32, #tpu.memory_space<hbm>>, %arg4: memref<32x82x128xi32, #tpu.memory_space<hbm>>, %arg5: memref<632x16xf32, #tpu.memory_space<hbm>>, %arg6: memref<2x10112x16xf32, #tpu.memory_space<hbm>>, %arg7: memref<82x128xi32, #tpu.memory_space<vmem>>, %arg8: memref<82x128xi32, #tpu.memory_space<vmem>>, %arg9: memref<128x16xf32, #tpu.memory_space<vmem>>, %arg10: memref<128x16xf32, #tpu.memory_space<vmem>>, %arg11: memref<10112x16xf32, #tpu.memory_space<vmem_shared>>, %arg12: memref<!tpu.dma_semaphore, #tpu.memory_space<semaphore_mem>>, %arg13: memref<!tpu.dma_semaphore, #tpu.memory_space<semaphore_mem>>) attributes {dimension_semantics = [#tpu.dimension_semantics<core_parallel>, #tpu.dimension_semantics<subcore_parallel>], iteration_bounds = array<i64: 2, 16>, scalar_prefetch = 0 : i64, scratch_operands = 7 : i64, tpu.core_type = #tpu.core_type<sc_vector_subcore>, window_params = [{transform_indices = #map}, {transform_indices = #map1}, {transform_indices = #map1}, {transform_indices = #map}, {transform_indices = #map1}]} {
    %mul3A = arith.constant 16 : i32
    %mul3A_0 = arith.muli %arg0, %mul3A : i32
    %add3A = arith.addi %mul3A_0, %arg1 : i32
    "tpu.region"() ({
      %run_scoped3A = tpu.sem_alloc : memref<!tpu.dma_semaphore, #tpu.memory_space<semaphore_mem>>
      %dma_start3A_39 = arith.constant 0 : i32
      %dma_start3A_40 = arith.constant 0 : i32
      %dma_start3A_41 = tpu.memref_slice %arg3[%add3A, %dma_start3A_39, %dma_start3A_40] : memref<32x82x128xi32, #tpu.memory_space<hbm>> -> memref<1x82x128xi32, #tpu.memory_space<hbm>>
      %dma_start3A_42 = tpu.memref_squeeze %dma_start3A_41 : memref<1x82x128xi32, #tpu.memory_space<hbm>> -> memref<82x128xi32, #tpu.memory_space<hbm>>
      %dma_start3A_43 = arith.constant 0 : i32
      %dma_start3A_44 = arith.constant 0 : i32
      %dma_start3A_45 = tpu.memref_slice %arg3[%add3A, %dma_start3A_43, %dma_start3A_44] : memref<32x82x128xi32, #tpu.memory_space<hbm>> -> memref<1x82x128xi32, #tpu.memory_space<hbm>>
      %dma_start3A_46 = tpu.memref_squeeze %dma_start3A_45 : memref<1x82x128xi32, #tpu.memory_space<hbm>> -> memref<82x128xi32, #tpu.memory_space<hbm>>
      tpu.enqueue_dma source(%dma_start3A_46 : memref<82x128xi32, #tpu.memory_space<hbm>>) target(%arg7 : memref<82x128xi32, #tpu.memory_space<vmem>>) target_semaphore(%run_scoped3A : memref<!tpu.dma_semaphore, #tpu.memory_space<semaphore_mem>>)
      %dma_wait3A_47 = arith.constant 0 : i32
      %dma_wait3A_48 = arith.constant 0 : i32
      %dma_wait3A_49 = tpu.memref_slice %arg3[%add3A, %dma_wait3A_47, %dma_wait3A_48] : memref<32x82x128xi32, #tpu.memory_space<hbm>> -> memref<1x82x128xi32, #tpu.memory_space<hbm>>
      %dma_wait3A_50 = tpu.memref_squeeze %dma_wait3A_49 : memref<1x82x128xi32, #tpu.memory_space<hbm>> -> memref<82x128xi32, #tpu.memory_space<hbm>>
      %dma_wait3A_51 = arith.constant 0 : i32
      %dma_wait3A_52 = arith.constant 0 : i32
      %dma_wait3A_53 = tpu.memref_slice %arg3[%add3A, %dma_wait3A_51, %dma_wait3A_52] : memref<32x82x128xi32, #tpu.memory_space<hbm>> -> memref<1x82x128xi32, #tpu.memory_space<hbm>>
      %dma_wait3A_54 = tpu.memref_squeeze %dma_wait3A_53 : memref<1x82x128xi32, #tpu.memory_space<hbm>> -> memref<82x128xi32, #tpu.memory_space<hbm>>
      tpu.wait_dma2 semaphore(%run_scoped3A : memref<!tpu.dma_semaphore, #tpu.memory_space<semaphore_mem>>) src(%dma_wait3A_54 : memref<82x128xi32, #tpu.memory_space<hbm>>) dst(%arg7 : memref<82x128xi32, #tpu.memory_space<vmem>>)
      tpu.yield
    }) : () -> ()
    "tpu.region"() ({
      %run_scoped3A = tpu.sem_alloc : memref<!tpu.dma_semaphore, #tpu.memory_space<semaphore_mem>>
      %dma_start3A_39 = arith.constant 0 : i32
      %dma_start3A_40 = arith.constant 0 : i32
      %dma_start3A_41 = tpu.memref_slice %arg4[%add3A, %dma_start3A_39, %dma_start3A_40] : memref<32x82x128xi32, #tpu.memory_space<hbm>> -> memref<1x82x128xi32, #tpu.memory_space<hbm>>
      %dma_start3A_42 = tpu.memref_squeeze %dma_start3A_41 : memref<1x82x128xi32, #tpu.memory_space<hbm>> -> memref<82x128xi32, #tpu.memory_space<hbm>>
      %dma_start3A_43 = arith.constant 0 : i32
      %dma_start3A_44 = arith.constant 0 : i32
      %dma_start3A_45 = tpu.memref_slice %arg4[%add3A, %dma_start3A_43, %dma_start3A_44] : memref<32x82x128xi32, #tpu.memory_space<hbm>> -> memref<1x82x128xi32, #tpu.memory_space<hbm>>
      %dma_start3A_46 = tpu.memref_squeeze %dma_start3A_45 : memref<1x82x128xi32, #tpu.memory_space<hbm>> -> memref<82x128xi32, #tpu.memory_space<hbm>>
      tpu.enqueue_dma source(%dma_start3A_46 : memref<82x128xi32, #tpu.memory_space<hbm>>) target(%arg8 : memref<82x128xi32, #tpu.memory_space<vmem>>) target_semaphore(%run_scoped3A : memref<!tpu.dma_semaphore, #tpu.memory_space<semaphore_mem>>)
      %dma_wait3A_47 = arith.constant 0 : i32
      %dma_wait3A_48 = arith.constant 0 : i32
      %dma_wait3A_49 = tpu.memref_slice %arg4[%add3A, %dma_wait3A_47, %dma_wait3A_48] : memref<32x82x128xi32, #tpu.memory_space<hbm>> -> memref<1x82x128xi32, #tpu.memory_space<hbm>>
      %dma_wait3A_50 = tpu.memref_squeeze %dma_wait3A_49 : memref<1x82x128xi32, #tpu.memory_space<hbm>> -> memref<82x128xi32, #tpu.memory_space<hbm>>
      %dma_wait3A_51 = arith.constant 0 : i32
      %dma_wait3A_52 = arith.constant 0 : i32
      %dma_wait3A_53 = tpu.memref_slice %arg4[%add3A, %dma_wait3A_51, %dma_wait3A_52] : memref<32x82x128xi32, #tpu.memory_space<hbm>> -> memref<1x82x128xi32, #tpu.memory_space<hbm>>
      %dma_wait3A_54 = tpu.memref_squeeze %dma_wait3A_53 : memref<1x82x128xi32, #tpu.memory_space<hbm>> -> memref<82x128xi32, #tpu.memory_space<hbm>>
      tpu.wait_dma2 semaphore(%run_scoped3A : memref<!tpu.dma_semaphore, #tpu.memory_space<semaphore_mem>>) src(%dma_wait3A_54 : memref<82x128xi32, #tpu.memory_space<hbm>>) dst(%arg8 : memref<82x128xi32, #tpu.memory_space<vmem>>)
      tpu.yield
    }) : () -> ()
    %mul3A_1 = arith.constant 632 : i32
    %mul3A_2 = arith.muli %arg1, %mul3A_1 : i32
    "tpu.region"() ({
      %run_scoped3A = tpu.sem_alloc : memref<!tpu.dma_semaphore, #tpu.memory_space<semaphore_mem>>
      %dma_start3A_39 = arith.constant 0 : i32
      %dma_start3A_40 = tpu.memref_slice %arg11[%mul3A_2, %dma_start3A_39] : memref<10112x16xf32, #tpu.memory_space<vmem_shared>> -> memref<632x16xf32, #tpu.memory_space<vmem_shared>>
      tpu.enqueue_dma source(%arg5 : memref<632x16xf32, #tpu.memory_space<hbm>>) target(%dma_start3A_40 : memref<632x16xf32, #tpu.memory_space<vmem_shared>>) target_semaphore(%run_scoped3A : memref<!tpu.dma_semaphore, #tpu.memory_space<semaphore_mem>>)
      %dma_wait3A_41 = arith.constant 0 : i32
      %dma_wait3A_42 = tpu.memref_slice %arg11[%mul3A_2, %dma_wait3A_41] : memref<10112x16xf32, #tpu.memory_space<vmem_shared>> -> memref<632x16xf32, #tpu.memory_space<vmem_shared>>
      tpu.wait_dma2 semaphore(%run_scoped3A : memref<!tpu.dma_semaphore, #tpu.memory_space<semaphore_mem>>) src(%arg5 : memref<632x16xf32, #tpu.memory_space<hbm>>) dst(%dma_wait3A_42 : memref<632x16xf32, #tpu.memory_space<vmem_shared>>)
      tpu.yield
    }) : () -> ()
    %barrier3A = arith.constant 0 : index
    tpu.barrier barrier_id(%barrier3A)
    %dma_start3A = arith.constant 0 : i32
    %dma_start3A_3 = arith.constant 0 : i32
    %dma_start3A_4 = tpu.memref_slice %arg7[%dma_start3A, %dma_start3A_3] : memref<82x128xi32, #tpu.memory_space<vmem>> -> memref<1x128xi32, #tpu.memory_space<vmem>>
    %dma_start3A_5 = tpu.memref_squeeze %dma_start3A_4 : memref<1x128xi32, #tpu.memory_space<vmem>> -> memref<128xi32, #tpu.memory_space<vmem>>
    %dma_start3A_6 = arith.constant 0 : i32
    %dma_start3A_7 = arith.constant 0 : i32
    %dma_start3A_8 = tpu.memref_slice %arg2[%dma_start3A_6, %dma_start3A_7] : memref<10000x16xf32, #tpu.memory_space<hbm>> -> memref<10000x16xf32, #tpu.memory_space<hbm>>
    tpu.enqueue_indirect_dma source(%dma_start3A_8 : memref<10000x16xf32, #tpu.memory_space<hbm>>) target(%arg9 : memref<128x16xf32, #tpu.memory_space<vmem>>) offsets(%dma_start3A_5 : memref<128xi32, #tpu.memory_space<vmem>>) semaphore(%arg12 : memref<!tpu.dma_semaphore, #tpu.memory_space<semaphore_mem>>)
    %dma_start3A_9 = arith.constant 1 : i32
    %dma_start3A_10 = arith.constant 0 : i32
    %dma_start3A_11 = tpu.memref_slice %arg7[%dma_start3A_9, %dma_start3A_10] : memref<82x128xi32, #tpu.memory_space<vmem>> -> memref<1x128xi32, #tpu.memory_space<vmem>>
    %dma_start3A_12 = tpu.memref_squeeze %dma_start3A_11 : memref<1x128xi32, #tpu.memory_space<vmem>> -> memref<128xi32, #tpu.memory_space<vmem>>
    %dma_start3A_13 = arith.constant 0 : i32
    %dma_start3A_14 = arith.constant 0 : i32
    %dma_start3A_15 = tpu.memref_slice %arg2[%dma_start3A_13, %dma_start3A_14] : memref<10000x16xf32, #tpu.memory_space<hbm>> -> memref<10000x16xf32, #tpu.memory_space<hbm>>
    tpu.enqueue_indirect_dma source(%dma_start3A_15 : memref<10000x16xf32, #tpu.memory_space<hbm>>) target(%arg10 : memref<128x16xf32, #tpu.memory_space<vmem>>) offsets(%dma_start3A_12 : memref<128xi32, #tpu.memory_space<vmem>>) semaphore(%arg13 : memref<!tpu.dma_semaphore, #tpu.memory_space<semaphore_mem>>)
    %scan3A = arith.constant 0 : i32
    %scan3A_16 = arith.constant 0 : i32
    %scan3A_17 = arith.constant 40 : i32
    %scan3A_18 = arith.addi %scan3A_16, %scan3A_17 : i32
    %scan3A_19 = arith.constant 1 : i32
    scf.for %scan3A_39 = %scan3A_16 to %scan3A_18 step %scan3A_19  : i32 {
      %mul3A_40 = arith.constant 2 : i32
      %mul3A_41 = arith.muli %mul3A_40, %scan3A_39 : i32
      %dma_wait3A_42 = arith.constant 0 : i32
      %dma_wait3A_43 = tpu.memref_slice %arg7[%mul3A_41, %dma_wait3A_42] : memref<82x128xi32, #tpu.memory_space<vmem>> -> memref<1x128xi32, #tpu.memory_space<vmem>>
      %dma_wait3A_44 = tpu.memref_squeeze %dma_wait3A_43 : memref<1x128xi32, #tpu.memory_space<vmem>> -> memref<128xi32, #tpu.memory_space<vmem>>
      %dma_wait3A_45 = arith.constant 0 : i32
      %dma_wait3A_46 = arith.constant 0 : i32
      %dma_wait3A_47 = tpu.memref_slice %arg2[%dma_wait3A_45, %dma_wait3A_46] : memref<10000x16xf32, #tpu.memory_space<hbm>> -> memref<10000x16xf32, #tpu.memory_space<hbm>>
      tpu.wait_indirect_dma semaphore(%arg12 : memref<!tpu.dma_semaphore, #tpu.memory_space<semaphore_mem>>) src(%dma_wait3A_47 : memref<10000x16xf32, #tpu.memory_space<hbm>>) dst(%arg9 : memref<128x16xf32, #tpu.memory_space<vmem>>)
      "tpu.region"() ({
        %run_scoped3A = tpu.sem_alloc : memref<!tpu.dma_semaphore, #tpu.memory_space<semaphore_mem>>
        %dma_start3A_74 = arith.constant 0 : i32
        %dma_start3A_75 = tpu.memref_slice %arg8[%mul3A_41, %dma_start3A_74] : memref<82x128xi32, #tpu.memory_space<vmem>> -> memref<1x128xi32, #tpu.memory_space<vmem>>
        %dma_start3A_76 = tpu.memref_squeeze %dma_start3A_75 : memref<1x128xi32, #tpu.memory_space<vmem>> -> memref<128xi32, #tpu.memory_space<vmem>>
        %dma_start3A_77 = arith.constant 0 : i32
        %dma_start3A_78 = arith.constant 0 : i32
        %dma_start3A_79 = tpu.memref_slice %arg11[%dma_start3A_77, %dma_start3A_78] : memref<10112x16xf32, #tpu.memory_space<vmem_shared>> -> memref<10112x16xf32, #tpu.memory_space<vmem_shared>>
        tpu.enqueue_indirect_dma source(%arg9 : memref<128x16xf32, #tpu.memory_space<vmem>>) target(%dma_start3A_79 : memref<10112x16xf32, #tpu.memory_space<vmem_shared>>) offsets(%dma_start3A_76 : memref<128xi32, #tpu.memory_space<vmem>>) semaphore(%run_scoped3A : memref<!tpu.dma_semaphore, #tpu.memory_space<semaphore_mem>>) {add = true}
        %dma_wait3A_80 = arith.constant 0 : i32
        %dma_wait3A_81 = tpu.memref_slice %arg8[%mul3A_41, %dma_wait3A_80] : memref<82x128xi32, #tpu.memory_space<vmem>> -> memref<1x128xi32, #tpu.memory_space<vmem>>
        %dma_wait3A_82 = tpu.memref_squeeze %dma_wait3A_81 : memref<1x128xi32, #tpu.memory_space<vmem>> -> memref<128xi32, #tpu.memory_space<vmem>>
        %dma_wait3A_83 = arith.constant 0 : i32
        %dma_wait3A_84 = arith.constant 0 : i32
        %dma_wait3A_85 = tpu.memref_slice %arg11[%dma_wait3A_83, %dma_wait3A_84] : memref<10112x16xf32, #tpu.memory_space<vmem_shared>> -> memref<10112x16xf32, #tpu.memory_space<vmem_shared>>
        tpu.wait_indirect_dma semaphore(%run_scoped3A : memref<!tpu.dma_semaphore, #tpu.memory_space<semaphore_mem>>) src(%arg9 : memref<128x16xf32, #tpu.memory_space<vmem>>) dst(%dma_wait3A_85 : memref<10112x16xf32, #tpu.memory_space<vmem_shared>>)
        tpu.yield
      }) : () -> ()
      %add3A_48 = arith.constant 2 : i32
      %add3A_49 = arith.addi %mul3A_41, %add3A_48 : i32
      %dma_start3A_50 = arith.constant 0 : i32
      %dma_start3A_51 = tpu.memref_slice %arg7[%add3A_49, %dma_start3A_50] : memref<82x128xi32, #tpu.memory_space<vmem>> -> memref<1x128xi32, #tpu.memory_space<vmem>>
      %dma_start3A_52 = tpu.memref_squeeze %dma_start3A_51 : memref<1x128xi32, #tpu.memory_space<vmem>> -> memref<128xi32, #tpu.memory_space<vmem>>
      %dma_start3A_53 = arith.constant 0 : i32
      %dma_start3A_54 = arith.constant 0 : i32
      %dma_start3A_55 = tpu.memref_slice %arg2[%dma_start3A_53, %dma_start3A_54] : memref<10000x16xf32, #tpu.memory_space<hbm>> -> memref<10000x16xf32, #tpu.memory_space<hbm>>
      tpu.enqueue_indirect_dma source(%dma_start3A_55 : memref<10000x16xf32, #tpu.memory_space<hbm>>) target(%arg9 : memref<128x16xf32, #tpu.memory_space<vmem>>) offsets(%dma_start3A_52 : memref<128xi32, #tpu.memory_space<vmem>>) semaphore(%arg12 : memref<!tpu.dma_semaphore, #tpu.memory_space<semaphore_mem>>)
      %add3A_56 = arith.constant 1 : i32
      %add3A_57 = arith.addi %mul3A_41, %add3A_56 : i32
      %dma_wait3A_58 = arith.constant 0 : i32
      %dma_wait3A_59 = tpu.memref_slice %arg7[%add3A_57, %dma_wait3A_58] : memref<82x128xi32, #tpu.memory_space<vmem>> -> memref<1x128xi32, #tpu.memory_space<vmem>>
      %dma_wait3A_60 = tpu.memref_squeeze %dma_wait3A_59 : memref<1x128xi32, #tpu.memory_space<vmem>> -> memref<128xi32, #tpu.memory_space<vmem>>
      %dma_wait3A_61 = arith.constant 0 : i32
      %dma_wait3A_62 = arith.constant 0 : i32
      %dma_wait3A_63 = tpu.memref_slice %arg2[%dma_wait3A_61, %dma_wait3A_62] : memref<10000x16xf32, #tpu.memory_space<hbm>> -> memref<10000x16xf32, #tpu.memory_space<hbm>>
      tpu.wait_indirect_dma semaphore(%arg13 : memref<!tpu.dma_semaphore, #tpu.memory_space<semaphore_mem>>) src(%dma_wait3A_63 : memref<10000x16xf32, #tpu.memory_space<hbm>>) dst(%arg10 : memref<128x16xf32, #tpu.memory_space<vmem>>)
      %add3A_64 = arith.constant 1 : i32
      %add3A_65 = arith.addi %mul3A_41, %add3A_64 : i32
      "tpu.region"() ({
        %run_scoped3A = tpu.sem_alloc : memref<!tpu.dma_semaphore, #tpu.memory_space<semaphore_mem>>
        %dma_start3A_74 = arith.constant 0 : i32
        %dma_start3A_75 = tpu.memref_slice %arg8[%add3A_65, %dma_start3A_74] : memref<82x128xi32, #tpu.memory_space<vmem>> -> memref<1x128xi32, #tpu.memory_space<vmem>>
        %dma_start3A_76 = tpu.memref_squeeze %dma_start3A_75 : memref<1x128xi32, #tpu.memory_space<vmem>> -> memref<128xi32, #tpu.memory_space<vmem>>
        %dma_start3A_77 = arith.constant 0 : i32
        %dma_start3A_78 = arith.constant 0 : i32
        %dma_start3A_79 = tpu.memref_slice %arg11[%dma_start3A_77, %dma_start3A_78] : memref<10112x16xf32, #tpu.memory_space<vmem_shared>> -> memref<10112x16xf32, #tpu.memory_space<vmem_shared>>
        tpu.enqueue_indirect_dma source(%arg10 : memref<128x16xf32, #tpu.memory_space<vmem>>) target(%dma_start3A_79 : memref<10112x16xf32, #tpu.memory_space<vmem_shared>>) offsets(%dma_start3A_76 : memref<128xi32, #tpu.memory_space<vmem>>) semaphore(%run_scoped3A : memref<!tpu.dma_semaphore, #tpu.memory_space<semaphore_mem>>) {add = true}
        %dma_wait3A_80 = arith.constant 0 : i32
        %dma_wait3A_81 = tpu.memref_slice %arg8[%add3A_65, %dma_wait3A_80] : memref<82x128xi32, #tpu.memory_space<vmem>> -> memref<1x128xi32, #tpu.memory_space<vmem>>
        %dma_wait3A_82 = tpu.memref_squeeze %dma_wait3A_81 : memref<1x128xi32, #tpu.memory_space<vmem>> -> memref<128xi32, #tpu.memory_space<vmem>>
        %dma_wait3A_83 = arith.constant 0 : i32
        %dma_wait3A_84 = arith.constant 0 : i32
        %dma_wait3A_85 = tpu.memref_slice %arg11[%dma_wait3A_83, %dma_wait3A_84] : memref<10112x16xf32, #tpu.memory_space<vmem_shared>> -> memref<10112x16xf32, #tpu.memory_space<vmem_shared>>
        tpu.wait_indirect_dma semaphore(%run_scoped3A : memref<!tpu.dma_semaphore, #tpu.memory_space<semaphore_mem>>) src(%arg10 : memref<128x16xf32, #tpu.memory_space<vmem>>) dst(%dma_wait3A_85 : memref<10112x16xf32, #tpu.memory_space<vmem_shared>>)
        tpu.yield
      }) : () -> ()
      %add3A_66 = arith.constant 3 : i32
      %add3A_67 = arith.addi %mul3A_41, %add3A_66 : i32
      %dma_start3A_68 = arith.constant 0 : i32
      %dma_start3A_69 = tpu.memref_slice %arg7[%add3A_67, %dma_start3A_68] : memref<82x128xi32, #tpu.memory_space<vmem>> -> memref<1x128xi32, #tpu.memory_space<vmem>>
      %dma_start3A_70 = tpu.memref_squeeze %dma_start3A_69 : memref<1x128xi32, #tpu.memory_space<vmem>> -> memref<128xi32, #tpu.memory_space<vmem>>
      %dma_start3A_71 = arith.constant 0 : i32
      %dma_start3A_72 = arith.constant 0 : i32
      %dma_start3A_73 = tpu.memref_slice %arg2[%dma_start3A_71, %dma_start3A_72] : memref<10000x16xf32, #tpu.memory_space<hbm>> -> memref<10000x16xf32, #tpu.memory_space<hbm>>
      tpu.enqueue_indirect_dma source(%dma_start3A_73 : memref<10000x16xf32, #tpu.memory_space<hbm>>) target(%arg10 : memref<128x16xf32, #tpu.memory_space<vmem>>) offsets(%dma_start3A_70 : memref<128xi32, #tpu.memory_space<vmem>>) semaphore(%arg13 : memref<!tpu.dma_semaphore, #tpu.memory_space<semaphore_mem>>)
    }
    %scan3A_20 = arith.constant 40 : i32
    %dma_wait3A = arith.constant 80 : i32
    %dma_wait3A_21 = arith.constant 0 : i32
    %dma_wait3A_22 = tpu.memref_slice %arg7[%dma_wait3A, %dma_wait3A_21] : memref<82x128xi32, #tpu.memory_space<vmem>> -> memref<1x128xi32, #tpu.memory_space<vmem>>
    %dma_wait3A_23 = tpu.memref_squeeze %dma_wait3A_22 : memref<1x128xi32, #tpu.memory_space<vmem>> -> memref<128xi32, #tpu.memory_space<vmem>>
    %dma_wait3A_24 = arith.constant 0 : i32
    %dma_wait3A_25 = arith.constant 0 : i32
    %dma_wait3A_26 = tpu.memref_slice %arg2[%dma_wait3A_24, %dma_wait3A_25] : memref<10000x16xf32, #tpu.memory_space<hbm>> -> memref<10000x16xf32, #tpu.memory_space<hbm>>
    tpu.wait_indirect_dma semaphore(%arg12 : memref<!tpu.dma_semaphore, #tpu.memory_space<semaphore_mem>>) src(%dma_wait3A_26 : memref<10000x16xf32, #tpu.memory_space<hbm>>) dst(%arg9 : memref<128x16xf32, #tpu.memory_space<vmem>>)
    %dma_wait3A_27 = arith.constant 81 : i32
    %dma_wait3A_28 = arith.constant 0 : i32
    %dma_wait3A_29 = tpu.memref_slice %arg7[%dma_wait3A_27, %dma_wait3A_28] : memref<82x128xi32, #tpu.memory_space<vmem>> -> memref<1x128xi32, #tpu.memory_space<vmem>>
    %dma_wait3A_30 = tpu.memref_squeeze %dma_wait3A_29 : memref<1x128xi32, #tpu.memory_space<vmem>> -> memref<128xi32, #tpu.memory_space<vmem>>
    %dma_wait3A_31 = arith.constant 0 : i32
    %dma_wait3A_32 = arith.constant 0 : i32
    %dma_wait3A_33 = tpu.memref_slice %arg2[%dma_wait3A_31, %dma_wait3A_32] : memref<10000x16xf32, #tpu.memory_space<hbm>> -> memref<10000x16xf32, #tpu.memory_space<hbm>>
    tpu.wait_indirect_dma semaphore(%arg13 : memref<!tpu.dma_semaphore, #tpu.memory_space<semaphore_mem>>) src(%dma_wait3A_33 : memref<10000x16xf32, #tpu.memory_space<hbm>>) dst(%arg10 : memref<128x16xf32, #tpu.memory_space<vmem>>)
    %barrier3A_34 = arith.constant 0 : index
    tpu.barrier barrier_id(%barrier3A_34)
    %mul3A_35 = arith.constant 632 : i32
    %mul3A_36 = arith.muli %arg1, %mul3A_35 : i32
    %mul3A_37 = arith.constant 632 : i32
    %mul3A_38 = arith.muli %arg1, %mul3A_37 : i32
    "tpu.region"() ({
      %run_scoped3A = tpu.sem_alloc : memref<!tpu.dma_semaphore, #tpu.memory_space<semaphore_mem>>
      %dma_start3A_39 = arith.constant 0 : i32
      %dma_start3A_40 = tpu.memref_slice %arg6[%arg0, %mul3A_38, %dma_start3A_39] : memref<2x10112x16xf32, #tpu.memory_space<hbm>> -> memref<1x632x16xf32, #tpu.memory_space<hbm>>
      %dma_start3A_41 = tpu.memref_squeeze %dma_start3A_40 : memref<1x632x16xf32, #tpu.memory_space<hbm>> -> memref<632x16xf32, #tpu.memory_space<hbm>>
      %dma_start3A_42 = arith.constant 0 : i32
      %dma_start3A_43 = tpu.memref_slice %arg11[%mul3A_36, %dma_start3A_42] : memref<10112x16xf32, #tpu.memory_space<vmem_shared>> -> memref<632x16xf32, #tpu.memory_space<vmem_shared>>
      tpu.enqueue_dma source(%dma_start3A_43 : memref<632x16xf32, #tpu.memory_space<vmem_shared>>) target(%dma_start3A_41 : memref<632x16xf32, #tpu.memory_space<hbm>>) target_semaphore(%run_scoped3A : memref<!tpu.dma_semaphore, #tpu.memory_space<semaphore_mem>>)
      %dma_wait3A_44 = arith.constant 0 : i32
      %dma_wait3A_45 = tpu.memref_slice %arg6[%arg0, %mul3A_38, %dma_wait3A_44] : memref<2x10112x16xf32, #tpu.memory_space<hbm>> -> memref<1x632x16xf32, #tpu.memory_space<hbm>>
      %dma_wait3A_46 = tpu.memref_squeeze %dma_wait3A_45 : memref<1x632x16xf32, #tpu.memory_space<hbm>> -> memref<632x16xf32, #tpu.memory_space<hbm>>
      %dma_wait3A_47 = arith.constant 0 : i32
      %dma_wait3A_48 = tpu.memref_slice %arg11[%mul3A_36, %dma_wait3A_47] : memref<10112x16xf32, #tpu.memory_space<vmem_shared>> -> memref<632x16xf32, #tpu.memory_space<vmem_shared>>
      tpu.wait_dma2 semaphore(%run_scoped3A : memref<!tpu.dma_semaphore, #tpu.memory_space<semaphore_mem>>) src(%dma_wait3A_48 : memref<632x16xf32, #tpu.memory_space<vmem_shared>>) dst(%dma_wait3A_46 : memref<632x16xf32, #tpu.memory_space<hbm>>)
      tpu.yield
    }) : () -> ()
    return
  }
}

#map = affine_map<(d0, d1) -> (0, 0)>
#map1 = affine_map<(d0, d1) -> (0, 0, 0)>
module attributes {stable_mosaic.version = 14 : i64} {
  func.func @_agg_body(%arg0: i32, %arg1: i32, %arg2: memref<10000x16xf32, #tpu.memory_space<hbm>>, %arg3: memref<32x82x128xi32, #tpu.memory_space<hbm>>, %arg4: memref<32x82x128xi32, #tpu.memory_space<hbm>>, %arg5: memref<632x16xf32, #tpu.memory_space<hbm>>, %arg6: memref<2x10112x16xf32, #tpu.memory_space<hbm>>, %arg7: memref<82x128xi32, #tpu.memory_space<vmem>>, %arg8: memref<82x128xi32, #tpu.memory_space<vmem>>, %arg9: memref<128x16xf32, #tpu.memory_space<vmem>>, %arg10: memref<128x16xf32, #tpu.memory_space<vmem>>, %arg11: memref<10112x16xf32, #tpu.memory_space<vmem_shared>>, %arg12: memref<!tpu.dma_semaphore, #tpu.memory_space<semaphore_mem>>, %arg13: memref<!tpu.dma_semaphore, #tpu.memory_space<semaphore_mem>>) attributes {dimension_semantics = [#tpu.dimension_semantics<core_parallel>, #tpu.dimension_semantics<subcore_parallel>], iteration_bounds = array<i64: 2, 16>, scalar_prefetch = 0 : i64, scratch_operands = 7 : i64, tpu.core_type = #tpu.core_type<sc_vector_subcore>, window_params = [{transform_indices = #map}, {transform_indices = #map1}, {transform_indices = #map1}, {transform_indices = #map}, {transform_indices = #map1}]} {
    %mul3A = arith.constant 16 : i32
    %mul3A_0 = arith.muli %arg0, %mul3A : i32
    %add3A = arith.addi %mul3A_0, %arg1 : i32
    "tpu.region"() ({
      %run_scoped3A = tpu.sem_alloc : memref<!tpu.dma_semaphore, #tpu.memory_space<semaphore_mem>>
      %dma_start3A_39 = arith.constant 0 : i32
      %dma_start3A_40 = arith.constant 0 : i32
      %dma_start3A_41 = tpu.memref_slice %arg3[%add3A, %dma_start3A_39, %dma_start3A_40] : memref<32x82x128xi32, #tpu.memory_space<hbm>> -> memref<1x82x128xi32, #tpu.memory_space<hbm>>
      %dma_start3A_42 = tpu.memref_squeeze %dma_start3A_41 : memref<1x82x128xi32, #tpu.memory_space<hbm>> -> memref<82x128xi32, #tpu.memory_space<hbm>>
      %dma_start3A_43 = arith.constant 0 : i32
      %dma_start3A_44 = arith.constant 0 : i32
      %dma_start3A_45 = tpu.memref_slice %arg3[%add3A, %dma_start3A_43, %dma_start3A_44] : memref<32x82x128xi32, #tpu.memory_space<hbm>> -> memref<1x82x128xi32, #tpu.memory_space<hbm>>
      %dma_start3A_46 = tpu.memref_squeeze %dma_start3A_45 : memref<1x82x128xi32, #tpu.memory_space<hbm>> -> memref<82x128xi32, #tpu.memory_space<hbm>>
      tpu.enqueue_dma source(%dma_start3A_46 : memref<82x128xi32, #tpu.memory_space<hbm>>) target(%arg7 : memref<82x128xi32, #tpu.memory_space<vmem>>) target_semaphore(%run_scoped3A : memref<!tpu.dma_semaphore, #tpu.memory_space<semaphore_mem>>)
      %dma_wait3A_47 = arith.constant 0 : i32
      %dma_wait3A_48 = arith.constant 0 : i32
      %dma_wait3A_49 = tpu.memref_slice %arg3[%add3A, %dma_wait3A_47, %dma_wait3A_48] : memref<32x82x128xi32, #tpu.memory_space<hbm>> -> memref<1x82x128xi32, #tpu.memory_space<hbm>>
      %dma_wait3A_50 = tpu.memref_squeeze %dma_wait3A_49 : memref<1x82x128xi32, #tpu.memory_space<hbm>> -> memref<82x128xi32, #tpu.memory_space<hbm>>
      %dma_wait3A_51 = arith.constant 0 : i32
      %dma_wait3A_52 = arith.constant 0 : i32
      %dma_wait3A_53 = tpu.memref_slice %arg3[%add3A, %dma_wait3A_51, %dma_wait3A_52] : memref<32x82x128xi32, #tpu.memory_space<hbm>> -> memref<1x82x128xi32, #tpu.memory_space<hbm>>
      %dma_wait3A_54 = tpu.memref_squeeze %dma_wait3A_53 : memref<1x82x128xi32, #tpu.memory_space<hbm>> -> memref<82x128xi32, #tpu.memory_space<hbm>>
      tpu.wait_dma2 semaphore(%run_scoped3A : memref<!tpu.dma_semaphore, #tpu.memory_space<semaphore_mem>>) src(%dma_wait3A_54 : memref<82x128xi32, #tpu.memory_space<hbm>>) dst(%arg7 : memref<82x128xi32, #tpu.memory_space<vmem>>)
      tpu.yield
    }) : () -> ()
    "tpu.region"() ({
      %run_scoped3A = tpu.sem_alloc : memref<!tpu.dma_semaphore, #tpu.memory_space<semaphore_mem>>
      %dma_start3A_39 = arith.constant 0 : i32
      %dma_start3A_40 = arith.constant 0 : i32
      %dma_start3A_41 = tpu.memref_slice %arg4[%add3A, %dma_start3A_39, %dma_start3A_40] : memref<32x82x128xi32, #tpu.memory_space<hbm>> -> memref<1x82x128xi32, #tpu.memory_space<hbm>>
      %dma_start3A_42 = tpu.memref_squeeze %dma_start3A_41 : memref<1x82x128xi32, #tpu.memory_space<hbm>> -> memref<82x128xi32, #tpu.memory_space<hbm>>
      %dma_start3A_43 = arith.constant 0 : i32
      %dma_start3A_44 = arith.constant 0 : i32
      %dma_start3A_45 = tpu.memref_slice %arg4[%add3A, %dma_start3A_43, %dma_start3A_44] : memref<32x82x128xi32, #tpu.memory_space<hbm>> -> memref<1x82x128xi32, #tpu.memory_space<hbm>>
      %dma_start3A_46 = tpu.memref_squeeze %dma_start3A_45 : memref<1x82x128xi32, #tpu.memory_space<hbm>> -> memref<82x128xi32, #tpu.memory_space<hbm>>
      tpu.enqueue_dma source(%dma_start3A_46 : memref<82x128xi32, #tpu.memory_space<hbm>>) target(%arg8 : memref<82x128xi32, #tpu.memory_space<vmem>>) target_semaphore(%run_scoped3A : memref<!tpu.dma_semaphore, #tpu.memory_space<semaphore_mem>>)
      %dma_wait3A_47 = arith.constant 0 : i32
      %dma_wait3A_48 = arith.constant 0 : i32
      %dma_wait3A_49 = tpu.memref_slice %arg4[%add3A, %dma_wait3A_47, %dma_wait3A_48] : memref<32x82x128xi32, #tpu.memory_space<hbm>> -> memref<1x82x128xi32, #tpu.memory_space<hbm>>
      %dma_wait3A_50 = tpu.memref_squeeze %dma_wait3A_49 : memref<1x82x128xi32, #tpu.memory_space<hbm>> -> memref<82x128xi32, #tpu.memory_space<hbm>>
      %dma_wait3A_51 = arith.constant 0 : i32
      %dma_wait3A_52 = arith.constant 0 : i32
      %dma_wait3A_53 = tpu.memref_slice %arg4[%add3A, %dma_wait3A_51, %dma_wait3A_52] : memref<32x82x128xi32, #tpu.memory_space<hbm>> -> memref<1x82x128xi32, #tpu.memory_space<hbm>>
      %dma_wait3A_54 = tpu.memref_squeeze %dma_wait3A_53 : memref<1x82x128xi32, #tpu.memory_space<hbm>> -> memref<82x128xi32, #tpu.memory_space<hbm>>
      tpu.wait_dma2 semaphore(%run_scoped3A : memref<!tpu.dma_semaphore, #tpu.memory_space<semaphore_mem>>) src(%dma_wait3A_54 : memref<82x128xi32, #tpu.memory_space<hbm>>) dst(%arg8 : memref<82x128xi32, #tpu.memory_space<vmem>>)
      tpu.yield
    }) : () -> ()
    %mul3A_1 = arith.constant 632 : i32
    %mul3A_2 = arith.muli %arg1, %mul3A_1 : i32
    "tpu.region"() ({
      %run_scoped3A = tpu.sem_alloc : memref<!tpu.dma_semaphore, #tpu.memory_space<semaphore_mem>>
      %dma_start3A_39 = arith.constant 0 : i32
      %dma_start3A_40 = tpu.memref_slice %arg11[%mul3A_2, %dma_start3A_39] : memref<10112x16xf32, #tpu.memory_space<vmem_shared>> -> memref<632x16xf32, #tpu.memory_space<vmem_shared>>
      tpu.enqueue_dma source(%arg5 : memref<632x16xf32, #tpu.memory_space<hbm>>) target(%dma_start3A_40 : memref<632x16xf32, #tpu.memory_space<vmem_shared>>) target_semaphore(%run_scoped3A : memref<!tpu.dma_semaphore, #tpu.memory_space<semaphore_mem>>)
      %dma_wait3A_41 = arith.constant 0 : i32
      %dma_wait3A_42 = tpu.memref_slice %arg11[%mul3A_2, %dma_wait3A_41] : memref<10112x16xf32, #tpu.memory_space<vmem_shared>> -> memref<632x16xf32, #tpu.memory_space<vmem_shared>>
      tpu.wait_dma2 semaphore(%run_scoped3A : memref<!tpu.dma_semaphore, #tpu.memory_space<semaphore_mem>>) src(%arg5 : memref<632x16xf32, #tpu.memory_space<hbm>>) dst(%dma_wait3A_42 : memref<632x16xf32, #tpu.memory_space<vmem_shared>>)
      tpu.yield
    }) : () -> ()
    %barrier3A = arith.constant 0 : index
    tpu.barrier barrier_id(%barrier3A)
    %dma_start3A = arith.constant 0 : i32
    %dma_start3A_3 = arith.constant 0 : i32
    %dma_start3A_4 = tpu.memref_slice %arg7[%dma_start3A, %dma_start3A_3] : memref<82x128xi32, #tpu.memory_space<vmem>> -> memref<1x128xi32, #tpu.memory_space<vmem>>
    %dma_start3A_5 = tpu.memref_squeeze %dma_start3A_4 : memref<1x128xi32, #tpu.memory_space<vmem>> -> memref<128xi32, #tpu.memory_space<vmem>>
    %dma_start3A_6 = arith.constant 0 : i32
    %dma_start3A_7 = arith.constant 0 : i32
    %dma_start3A_8 = tpu.memref_slice %arg2[%dma_start3A_6, %dma_start3A_7] : memref<10000x16xf32, #tpu.memory_space<hbm>> -> memref<10000x16xf32, #tpu.memory_space<hbm>>
    tpu.enqueue_indirect_dma source(%dma_start3A_8 : memref<10000x16xf32, #tpu.memory_space<hbm>>) target(%arg9 : memref<128x16xf32, #tpu.memory_space<vmem>>) offsets(%dma_start3A_5 : memref<128xi32, #tpu.memory_space<vmem>>) semaphore(%arg12 : memref<!tpu.dma_semaphore, #tpu.memory_space<semaphore_mem>>)
    %dma_start3A_9 = arith.constant 1 : i32
    %dma_start3A_10 = arith.constant 0 : i32
    %dma_start3A_11 = tpu.memref_slice %arg7[%dma_start3A_9, %dma_start3A_10] : memref<82x128xi32, #tpu.memory_space<vmem>> -> memref<1x128xi32, #tpu.memory_space<vmem>>
    %dma_start3A_12 = tpu.memref_squeeze %dma_start3A_11 : memref<1x128xi32, #tpu.memory_space<vmem>> -> memref<128xi32, #tpu.memory_space<vmem>>
    %dma_start3A_13 = arith.constant 0 : i32
    %dma_start3A_14 = arith.constant 0 : i32
    %dma_start3A_15 = tpu.memref_slice %arg2[%dma_start3A_13, %dma_start3A_14] : memref<10000x16xf32, #tpu.memory_space<hbm>> -> memref<10000x16xf32, #tpu.memory_space<hbm>>
    tpu.enqueue_indirect_dma source(%dma_start3A_15 : memref<10000x16xf32, #tpu.memory_space<hbm>>) target(%arg10 : memref<128x16xf32, #tpu.memory_space<vmem>>) offsets(%dma_start3A_12 : memref<128xi32, #tpu.memory_space<vmem>>) semaphore(%arg13 : memref<!tpu.dma_semaphore, #tpu.memory_space<semaphore_mem>>)
    %scan3A = arith.constant 0 : i32
    %scan3A_16 = arith.constant 0 : i32
    %scan3A_17 = arith.constant 40 : i32
    %scan3A_18 = arith.addi %scan3A_16, %scan3A_17 : i32
    %scan3A_19 = arith.constant 1 : i32
    scf.for %scan3A_39 = %scan3A_16 to %scan3A_18 step %scan3A_19  : i32 {
      %mul3A_40 = arith.constant 2 : i32
      %mul3A_41 = arith.muli %mul3A_40, %scan3A_39 : i32
      %dma_wait3A_42 = arith.constant 0 : i32
      %dma_wait3A_43 = tpu.memref_slice %arg7[%mul3A_41, %dma_wait3A_42] : memref<82x128xi32, #tpu.memory_space<vmem>> -> memref<1x128xi32, #tpu.memory_space<vmem>>
      %dma_wait3A_44 = tpu.memref_squeeze %dma_wait3A_43 : memref<1x128xi32, #tpu.memory_space<vmem>> -> memref<128xi32, #tpu.memory_space<vmem>>
      %dma_wait3A_45 = arith.constant 0 : i32
      %dma_wait3A_46 = arith.constant 0 : i32
      %dma_wait3A_47 = tpu.memref_slice %arg2[%dma_wait3A_45, %dma_wait3A_46] : memref<10000x16xf32, #tpu.memory_space<hbm>> -> memref<10000x16xf32, #tpu.memory_space<hbm>>
      tpu.wait_indirect_dma semaphore(%arg12 : memref<!tpu.dma_semaphore, #tpu.memory_space<semaphore_mem>>) src(%dma_wait3A_47 : memref<10000x16xf32, #tpu.memory_space<hbm>>) dst(%arg9 : memref<128x16xf32, #tpu.memory_space<vmem>>)
      "tpu.region"() ({
        %run_scoped3A = tpu.sem_alloc : memref<!tpu.dma_semaphore, #tpu.memory_space<semaphore_mem>>
        %dma_start3A_74 = arith.constant 0 : i32
        %dma_start3A_75 = tpu.memref_slice %arg8[%mul3A_41, %dma_start3A_74] : memref<82x128xi32, #tpu.memory_space<vmem>> -> memref<1x128xi32, #tpu.memory_space<vmem>>
        %dma_start3A_76 = tpu.memref_squeeze %dma_start3A_75 : memref<1x128xi32, #tpu.memory_space<vmem>> -> memref<128xi32, #tpu.memory_space<vmem>>
        %dma_start3A_77 = arith.constant 0 : i32
        %dma_start3A_78 = arith.constant 0 : i32
        %dma_start3A_79 = tpu.memref_slice %arg11[%dma_start3A_77, %dma_start3A_78] : memref<10112x16xf32, #tpu.memory_space<vmem_shared>> -> memref<10112x16xf32, #tpu.memory_space<vmem_shared>>
        tpu.enqueue_indirect_dma source(%arg9 : memref<128x16xf32, #tpu.memory_space<vmem>>) target(%dma_start3A_79 : memref<10112x16xf32, #tpu.memory_space<vmem_shared>>) offsets(%dma_start3A_76 : memref<128xi32, #tpu.memory_space<vmem>>) semaphore(%run_scoped3A : memref<!tpu.dma_semaphore, #tpu.memory_space<semaphore_mem>>) {add = true}
        %dma_wait3A_80 = arith.constant 0 : i32
        %dma_wait3A_81 = tpu.memref_slice %arg8[%mul3A_41, %dma_wait3A_80] : memref<82x128xi32, #tpu.memory_space<vmem>> -> memref<1x128xi32, #tpu.memory_space<vmem>>
        %dma_wait3A_82 = tpu.memref_squeeze %dma_wait3A_81 : memref<1x128xi32, #tpu.memory_space<vmem>> -> memref<128xi32, #tpu.memory_space<vmem>>
        %dma_wait3A_83 = arith.constant 0 : i32
        %dma_wait3A_84 = arith.constant 0 : i32
        %dma_wait3A_85 = tpu.memref_slice %arg11[%dma_wait3A_83, %dma_wait3A_84] : memref<10112x16xf32, #tpu.memory_space<vmem_shared>> -> memref<10112x16xf32, #tpu.memory_space<vmem_shared>>
        tpu.wait_indirect_dma semaphore(%run_scoped3A : memref<!tpu.dma_semaphore, #tpu.memory_space<semaphore_mem>>) src(%arg9 : memref<128x16xf32, #tpu.memory_space<vmem>>) dst(%dma_wait3A_85 : memref<10112x16xf32, #tpu.memory_space<vmem_shared>>)
        tpu.yield
      }) : () -> ()
      %add3A_48 = arith.constant 2 : i32
      %add3A_49 = arith.addi %mul3A_41, %add3A_48 : i32
      %dma_start3A_50 = arith.constant 0 : i32
      %dma_start3A_51 = tpu.memref_slice %arg7[%add3A_49, %dma_start3A_50] : memref<82x128xi32, #tpu.memory_space<vmem>> -> memref<1x128xi32, #tpu.memory_space<vmem>>
      %dma_start3A_52 = tpu.memref_squeeze %dma_start3A_51 : memref<1x128xi32, #tpu.memory_space<vmem>> -> memref<128xi32, #tpu.memory_space<vmem>>
      %dma_start3A_53 = arith.constant 0 : i32
      %dma_start3A_54 = arith.constant 0 : i32
      %dma_start3A_55 = tpu.memref_slice %arg2[%dma_start3A_53, %dma_start3A_54] : memref<10000x16xf32, #tpu.memory_space<hbm>> -> memref<10000x16xf32, #tpu.memory_space<hbm>>
      tpu.enqueue_indirect_dma source(%dma_start3A_55 : memref<10000x16xf32, #tpu.memory_space<hbm>>) target(%arg9 : memref<128x16xf32, #tpu.memory_space<vmem>>) offsets(%dma_start3A_52 : memref<128xi32, #tpu.memory_space<vmem>>) semaphore(%arg12 : memref<!tpu.dma_semaphore, #tpu.memory_space<semaphore_mem>>)
      %add3A_56 = arith.constant 1 : i32
      %add3A_57 = arith.addi %mul3A_41, %add3A_56 : i32
      %dma_wait3A_58 = arith.constant 0 : i32
      %dma_wait3A_59 = tpu.memref_slice %arg7[%add3A_57, %dma_wait3A_58] : memref<82x128xi32, #tpu.memory_space<vmem>> -> memref<1x128xi32, #tpu.memory_space<vmem>>
      %dma_wait3A_60 = tpu.memref_squeeze %dma_wait3A_59 : memref<1x128xi32, #tpu.memory_space<vmem>> -> memref<128xi32, #tpu.memory_space<vmem>>
      %dma_wait3A_61 = arith.constant 0 : i32
      %dma_wait3A_62 = arith.constant 0 : i32
      %dma_wait3A_63 = tpu.memref_slice %arg2[%dma_wait3A_61, %dma_wait3A_62] : memref<10000x16xf32, #tpu.memory_space<hbm>> -> memref<10000x16xf32, #tpu.memory_space<hbm>>
      tpu.wait_indirect_dma semaphore(%arg13 : memref<!tpu.dma_semaphore, #tpu.memory_space<semaphore_mem>>) src(%dma_wait3A_63 : memref<10000x16xf32, #tpu.memory_space<hbm>>) dst(%arg10 : memref<128x16xf32, #tpu.memory_space<vmem>>)
      %add3A_64 = arith.constant 1 : i32
      %add3A_65 = arith.addi %mul3A_41, %add3A_64 : i32
      "tpu.region"() ({
        %run_scoped3A = tpu.sem_alloc : memref<!tpu.dma_semaphore, #tpu.memory_space<semaphore_mem>>
        %dma_start3A_74 = arith.constant 0 : i32
        %dma_start3A_75 = tpu.memref_slice %arg8[%add3A_65, %dma_start3A_74] : memref<82x128xi32, #tpu.memory_space<vmem>> -> memref<1x128xi32, #tpu.memory_space<vmem>>
        %dma_start3A_76 = tpu.memref_squeeze %dma_start3A_75 : memref<1x128xi32, #tpu.memory_space<vmem>> -> memref<128xi32, #tpu.memory_space<vmem>>
        %dma_start3A_77 = arith.constant 0 : i32
        %dma_start3A_78 = arith.constant 0 : i32
        %dma_start3A_79 = tpu.memref_slice %arg11[%dma_start3A_77, %dma_start3A_78] : memref<10112x16xf32, #tpu.memory_space<vmem_shared>> -> memref<10112x16xf32, #tpu.memory_space<vmem_shared>>
        tpu.enqueue_indirect_dma source(%arg10 : memref<128x16xf32, #tpu.memory_space<vmem>>) target(%dma_start3A_79 : memref<10112x16xf32, #tpu.memory_space<vmem_shared>>) offsets(%dma_start3A_76 : memref<128xi32, #tpu.memory_space<vmem>>) semaphore(%run_scoped3A : memref<!tpu.dma_semaphore, #tpu.memory_space<semaphore_mem>>) {add = true}
        %dma_wait3A_80 = arith.constant 0 : i32
        %dma_wait3A_81 = tpu.memref_slice %arg8[%add3A_65, %dma_wait3A_80] : memref<82x128xi32, #tpu.memory_space<vmem>> -> memref<1x128xi32, #tpu.memory_space<vmem>>
        %dma_wait3A_82 = tpu.memref_squeeze %dma_wait3A_81 : memref<1x128xi32, #tpu.memory_space<vmem>> -> memref<128xi32, #tpu.memory_space<vmem>>
        %dma_wait3A_83 = arith.constant 0 : i32
        %dma_wait3A_84 = arith.constant 0 : i32
        %dma_wait3A_85 = tpu.memref_slice %arg11[%dma_wait3A_83, %dma_wait3A_84] : memref<10112x16xf32, #tpu.memory_space<vmem_shared>> -> memref<10112x16xf32, #tpu.memory_space<vmem_shared>>
        tpu.wait_indirect_dma semaphore(%run_scoped3A : memref<!tpu.dma_semaphore, #tpu.memory_space<semaphore_mem>>) src(%arg10 : memref<128x16xf32, #tpu.memory_space<vmem>>) dst(%dma_wait3A_85 : memref<10112x16xf32, #tpu.memory_space<vmem_shared>>)
        tpu.yield
      }) : () -> ()
      %add3A_66 = arith.constant 3 : i32
      %add3A_67 = arith.addi %mul3A_41, %add3A_66 : i32
      %dma_start3A_68 = arith.constant 0 : i32
      %dma_start3A_69 = tpu.memref_slice %arg7[%add3A_67, %dma_start3A_68] : memref<82x128xi32, #tpu.memory_space<vmem>> -> memref<1x128xi32, #tpu.memory_space<vmem>>
      %dma_start3A_70 = tpu.memref_squeeze %dma_start3A_69 : memref<1x128xi32, #tpu.memory_space<vmem>> -> memref<128xi32, #tpu.memory_space<vmem>>
      %dma_start3A_71 = arith.constant 0 : i32
      %dma_start3A_72 = arith.constant 0 : i32
      %dma_start3A_73 = tpu.memref_slice %arg2[%dma_start3A_71, %dma_start3A_72] : memref<10000x16xf32, #tpu.memory_space<hbm>> -> memref<10000x16xf32, #tpu.memory_space<hbm>>
      tpu.enqueue_indirect_dma source(%dma_start3A_73 : memref<10000x16xf32, #tpu.memory_space<hbm>>) target(%arg10 : memref<128x16xf32, #tpu.memory_space<vmem>>) offsets(%dma_start3A_70 : memref<128xi32, #tpu.memory_space<vmem>>) semaphore(%arg13 : memref<!tpu.dma_semaphore, #tpu.memory_space<semaphore_mem>>)
    }
    %scan3A_20 = arith.constant 40 : i32
    %dma_wait3A = arith.constant 80 : i32
    %dma_wait3A_21 = arith.constant 0 : i32
    %dma_wait3A_22 = tpu.memref_slice %arg7[%dma_wait3A, %dma_wait3A_21] : memref<82x128xi32, #tpu.memory_space<vmem>> -> memref<1x128xi32, #tpu.memory_space<vmem>>
    %dma_wait3A_23 = tpu.memref_squeeze %dma_wait3A_22 : memref<1x128xi32, #tpu.memory_space<vmem>> -> memref<128xi32, #tpu.memory_space<vmem>>
    %dma_wait3A_24 = arith.constant 0 : i32
    %dma_wait3A_25 = arith.constant 0 : i32
    %dma_wait3A_26 = tpu.memref_slice %arg2[%dma_wait3A_24, %dma_wait3A_25] : memref<10000x16xf32, #tpu.memory_space<hbm>> -> memref<10000x16xf32, #tpu.memory_space<hbm>>
    tpu.wait_indirect_dma semaphore(%arg12 : memref<!tpu.dma_semaphore, #tpu.memory_space<semaphore_mem>>) src(%dma_wait3A_26 : memref<10000x16xf32, #tpu.memory_space<hbm>>) dst(%arg9 : memref<128x16xf32, #tpu.memory_space<vmem>>)
    %dma_wait3A_27 = arith.constant 81 : i32
    %dma_wait3A_28 = arith.constant 0 : i32
    %dma_wait3A_29 = tpu.memref_slice %arg7[%dma_wait3A_27, %dma_wait3A_28] : memref<82x128xi32, #tpu.memory_space<vmem>> -> memref<1x128xi32, #tpu.memory_space<vmem>>
    %dma_wait3A_30 = tpu.memref_squeeze %dma_wait3A_29 : memref<1x128xi32, #tpu.memory_space<vmem>> -> memref<128xi32, #tpu.memory_space<vmem>>
    %dma_wait3A_31 = arith.constant 0 : i32
    %dma_wait3A_32 = arith.constant 0 : i32
    %dma_wait3A_33 = tpu.memref_slice %arg2[%dma_wait3A_31, %dma_wait3A_32] : memref<10000x16xf32, #tpu.memory_space<hbm>> -> memref<10000x16xf32, #tpu.memory_space<hbm>>
    tpu.wait_indirect_dma semaphore(%arg13 : memref<!tpu.dma_semaphore, #tpu.memory_space<semaphore_mem>>) src(%dma_wait3A_33 : memref<10000x16xf32, #tpu.memory_space<hbm>>) dst(%arg10 : memref<128x16xf32, #tpu.memory_space<vmem>>)
    %barrier3A_34 = arith.constant 0 : index
    tpu.barrier barrier_id(%barrier3A_34)
    %mul3A_35 = arith.constant 632 : i32
    %mul3A_36 = arith.muli %arg1, %mul3A_35 : i32
    %mul3A_37 = arith.constant 632 : i32
    %mul3A_38 = arith.muli %arg1, %mul3A_37 : i32
    "tpu.region"() ({
      %run_scoped3A = tpu.sem_alloc : memref<!tpu.dma_semaphore, #tpu.memory_space<semaphore_mem>>
      %dma_start3A_39 = arith.constant 0 : i32
      %dma_start3A_40 = tpu.memref_slice %arg6[%arg0, %mul3A_38, %dma_start3A_39] : memref<2x10112x16xf32, #tpu.memory_space<hbm>> -> memref<1x632x16xf32, #tpu.memory_space<hbm>>
      %dma_start3A_41 = tpu.memref_squeeze %dma_start3A_40 : memref<1x632x16xf32, #tpu.memory_space<hbm>> -> memref<632x16xf32, #tpu.memory_space<hbm>>
      %dma_start3A_42 = arith.constant 0 : i32
      %dma_start3A_43 = tpu.memref_slice %arg11[%mul3A_36, %dma_start3A_42] : memref<10112x16xf32, #tpu.memory_space<vmem_shared>> -> memref<632x16xf32, #tpu.memory_space<vmem_shared>>
      tpu.enqueue_dma source(%dma_start3A_43 : memref<632x16xf32, #tpu.memory_space<vmem_shared>>) target(%dma_start3A_41 : memref<632x16xf32, #tpu.memory_space<hbm>>) target_semaphore(%run_scoped3A : memref<!tpu.dma_semaphore, #tpu.memory_space<semaphore_mem>>)
      %dma_wait3A_44 = arith.constant 0 : i32
      %dma_wait3A_45 = tpu.memref_slice %arg6[%arg0, %mul3A_38, %dma_wait3A_44] : memref<2x10112x16xf32, #tpu.memory_space<hbm>> -> memref<1x632x16xf32, #tpu.memory_space<hbm>>
      %dma_wait3A_46 = tpu.memref_squeeze %dma_wait3A_45 : memref<1x632x16xf32, #tpu.memory_space<hbm>> -> memref<632x16xf32, #tpu.memory_space<hbm>>
      %dma_wait3A_47 = arith.constant 0 : i32
      %dma_wait3A_48 = tpu.memref_slice %arg11[%mul3A_36, %dma_wait3A_47] : memref<10112x16xf32, #tpu.memory_space<vmem_shared>> -> memref<632x16xf32, #tpu.memory_space<vmem_shared>>
      tpu.wait_dma2 semaphore(%run_scoped3A : memref<!tpu.dma_semaphore, #tpu.memory_space<semaphore_mem>>) src(%dma_wait3A_48 : memref<632x16xf32, #tpu.memory_space<vmem_shared>>) dst(%dma_wait3A_46 : memref<632x16xf32, #tpu.memory_space<hbm>>)
      tpu.yield
    }) : () -> ()
    return
  }
}

module attributes {stable_mosaic.version = 14 : i64} {
  func.func @_proj_body(%arg0: memref<10000x128xf32, #tpu.memory_space<vmem>>, %arg1: memref<128x16xf32, #tpu.memory_space<vmem>>, %arg2: memref<10000x16xf32, #tpu.memory_space<vmem>>) attributes {dimension_semantics = [], scalar_prefetch = 0 : i64, scratch_operands = 0 : i64, tpu.core_type = #tpu.core_type<tc>} {
    %get3A = arith.constant 0 : index
    %get3A_0 = arith.constant 0 : index
    %get3A_1 = vector.load %arg0[%get3A, %get3A_0] : memref<10000x128xf32, #tpu.memory_space<vmem>>, vector<10000x128xf32>
    %get3A_2 = arith.constant 0 : index
    %get3A_3 = arith.constant 0 : index
    %get3A_4 = vector.load %arg1[%get3A_2, %get3A_3] : memref<128x16xf32, #tpu.memory_space<vmem>>, vector<128x16xf32>
    %dot_general3A = arith.constant dense<0.000000e+00> : vector<10000x16xf32>
    %dot_general3A_5 = tpu.matmul %get3A_1, %get3A_4, %dot_general3A {dimension_numbers = #tpu.dot_dimension_numbers<[1], [0], [0], [1], [0, 0, 1, 1], [], []>, precision = #tpu.contract_precision<fp32>, transpose_lhs_hint = false} : vector<10000x128xf32>, vector<128x16xf32>, vector<10000x16xf32> -> vector<10000x16xf32>
    %swap3A = arith.constant 0 : index
    %swap3A_6 = arith.constant 0 : index
    %swap3A_7 = vector.load %arg2[%swap3A, %swap3A_6] : memref<10000x16xf32, #tpu.memory_space<vmem>>, vector<10000x16xf32>
    tpu.vector_store %arg2[%swap3A, %swap3A_6], %dot_general3A_5 {strides = array<i32>} : memref<10000x16xf32, #tpu.memory_space<vmem>>, vector<10000x16xf32>,
    return
  }
}

module attributes {stable_mosaic.version = 14 : i64} {
  func.func @_mlp1_body(%arg0: memref<1xf32, #tpu.memory_space<smem>>, %arg1: memref<10000x16xf32, #tpu.memory_space<vmem>>, %arg2: memref<10000x16xf32, #tpu.memory_space<vmem>>, %arg3: memref<10000x16xf32, #tpu.memory_space<vmem>>, %arg4: memref<1x16xf32, #tpu.memory_space<vmem>>, %arg5: memref<16x16xf32, #tpu.memory_space<vmem>>, %arg6: memref<1x16xf32, #tpu.memory_space<vmem>>, %arg7: memref<16x16xf32, #tpu.memory_space<vmem>>, %arg8: memref<10000x16xf32, #tpu.memory_space<vmem>>) attributes {dimension_semantics = [], scalar_prefetch = 0 : i64, scratch_operands = 0 : i64, tpu.core_type = #tpu.core_type<tc>} {
    %get3A = arith.constant 0 : index
    %get3A_0 = memref.load %arg0[%get3A] : memref<1xf32, #tpu.memory_space<smem>>
    %add3A = arith.constant 1.000000e+00 : f32
    %add3A_1 = arith.addf %add3A, %get3A_0 : f32
    %get3A_2 = arith.constant 0 : index
    %get3A_3 = arith.constant 0 : index
    %get3A_4 = vector.load %arg1[%get3A_2, %get3A_3] : memref<10000x16xf32, #tpu.memory_space<vmem>>, vector<10000x16xf32>
    %mul3A = vector.broadcast %add3A_1 : f32 to vector<10000x16xf32>
    %mul3A_5 = arith.mulf %mul3A, %get3A_4 : vector<10000x16xf32>
    %get3A_6 = arith.constant 0 : index
    %get3A_7 = arith.constant 0 : index
    %get3A_8 = vector.load %arg2[%get3A_6, %get3A_7] : memref<10000x16xf32, #tpu.memory_space<vmem>>, vector<10000x16xf32>
    %add3A_9 = arith.addf %mul3A_5, %get3A_8 : vector<10000x16xf32>
    %get3A_10 = arith.constant 0 : index
    %get3A_11 = arith.constant 0 : index
    %get3A_12 = vector.load %arg3[%get3A_10, %get3A_11] : memref<10000x16xf32, #tpu.memory_space<vmem>>, vector<10000x16xf32>
    %add3A_13 = arith.addf %add3A_9, %get3A_12 : vector<10000x16xf32>
    %get3A_14 = arith.constant 0 : index
    %get3A_15 = arith.constant 0 : index
    %get3A_16 = vector.load %arg4[%get3A_14, %get3A_15] : memref<1x16xf32, #tpu.memory_space<vmem>>, vector<1x16xf32>
    %add3A_17 = vector.broadcast %get3A_16 : vector<1x16xf32> to vector<10000x16xf32>
    %add3A_18 = arith.addf %add3A_13, %add3A_17 : vector<10000x16xf32>
    %max3A = arith.constant 0.000000e+00 : f32
    %max3A_19 = vector.broadcast %max3A : f32 to vector<10000x16xf32>
    %max3A_20 = arith.maximumf %add3A_18, %max3A_19 : vector<10000x16xf32>
    %get3A_21 = arith.constant 0 : index
    %get3A_22 = arith.constant 0 : index
    %get3A_23 = vector.load %arg5[%get3A_21, %get3A_22] : memref<16x16xf32, #tpu.memory_space<vmem>>, vector<16x16xf32>
    %dot_general3A = arith.constant dense<0.000000e+00> : vector<10000x16xf32>
    %dot_general3A_24 = tpu.matmul %max3A_20, %get3A_23, %dot_general3A {dimension_numbers = #tpu.dot_dimension_numbers<[1], [0], [0], [1], [0, 0, 1, 1], [], []>, precision = #tpu.contract_precision<fp32>, transpose_lhs_hint = false} : vector<10000x16xf32>, vector<16x16xf32>, vector<10000x16xf32> -> vector<10000x16xf32>
    %get3A_25 = arith.constant 0 : index
    %get3A_26 = arith.constant 0 : index
    %get3A_27 = vector.load %arg6[%get3A_25, %get3A_26] : memref<1x16xf32, #tpu.memory_space<vmem>>, vector<1x16xf32>
    %add3A_28 = vector.broadcast %get3A_27 : vector<1x16xf32> to vector<10000x16xf32>
    %add3A_29 = arith.addf %dot_general3A_24, %add3A_28 : vector<10000x16xf32>
    %max3A_30 = arith.constant 0.000000e+00 : f32
    %max3A_31 = vector.broadcast %max3A_30 : f32 to vector<10000x16xf32>
    %max3A_32 = arith.maximumf %add3A_29, %max3A_31 : vector<10000x16xf32>
    %get3A_33 = arith.constant 0 : index
    %get3A_34 = arith.constant 0 : index
    %get3A_35 = vector.load %arg7[%get3A_33, %get3A_34] : memref<16x16xf32, #tpu.memory_space<vmem>>, vector<16x16xf32>
    %dot_general3A_36 = arith.constant dense<0.000000e+00> : vector<10000x16xf32>
    %dot_general3A_37 = tpu.matmul %max3A_32, %get3A_35, %dot_general3A_36 {dimension_numbers = #tpu.dot_dimension_numbers<[1], [0], [0], [1], [0, 0, 1, 1], [], []>, precision = #tpu.contract_precision<fp32>, transpose_lhs_hint = false} : vector<10000x16xf32>, vector<16x16xf32>, vector<10000x16xf32> -> vector<10000x16xf32>
    %swap3A = arith.constant 0 : index
    %swap3A_38 = arith.constant 0 : index
    %swap3A_39 = vector.load %arg8[%swap3A, %swap3A_38] : memref<10000x16xf32, #tpu.memory_space<vmem>>, vector<10000x16xf32>
    tpu.vector_store %arg8[%swap3A, %swap3A_38], %dot_general3A_37 {strides = array<i32>} : memref<10000x16xf32, #tpu.memory_space<vmem>>, vector<10000x16xf32>,
    return
  }
}

module attributes {stable_mosaic.version = 14 : i64} {
  func.func @_mlp2_body(%arg0: memref<1xf32, #tpu.memory_space<smem>>, %arg1: memref<10000x16xf32, #tpu.memory_space<vmem>>, %arg2: memref<10000x16xf32, #tpu.memory_space<vmem>>, %arg3: memref<10000x16xf32, #tpu.memory_space<vmem>>, %arg4: memref<1x16xf32, #tpu.memory_space<vmem>>, %arg5: memref<16x16xf32, #tpu.memory_space<vmem>>, %arg6: memref<1x16xf32, #tpu.memory_space<vmem>>, %arg7: memref<10000x16xf32, #tpu.memory_space<vmem>>) attributes {dimension_semantics = [], scalar_prefetch = 0 : i64, scratch_operands = 0 : i64, tpu.core_type = #tpu.core_type<tc>} {
    %get3A = arith.constant 0 : index
    %get3A_0 = memref.load %arg0[%get3A] : memref<1xf32, #tpu.memory_space<smem>>
    %add3A = arith.constant 1.000000e+00 : f32
    %add3A_1 = arith.addf %add3A, %get3A_0 : f32
    %get3A_2 = arith.constant 0 : index
    %get3A_3 = arith.constant 0 : index
    %get3A_4 = vector.load %arg1[%get3A_2, %get3A_3] : memref<10000x16xf32, #tpu.memory_space<vmem>>, vector<10000x16xf32>
    %mul3A = vector.broadcast %add3A_1 : f32 to vector<10000x16xf32>
    %mul3A_5 = arith.mulf %mul3A, %get3A_4 : vector<10000x16xf32>
    %get3A_6 = arith.constant 0 : index
    %get3A_7 = arith.constant 0 : index
    %get3A_8 = vector.load %arg2[%get3A_6, %get3A_7] : memref<10000x16xf32, #tpu.memory_space<vmem>>, vector<10000x16xf32>
    %add3A_9 = arith.addf %mul3A_5, %get3A_8 : vector<10000x16xf32>
    %get3A_10 = arith.constant 0 : index
    %get3A_11 = arith.constant 0 : index
    %get3A_12 = vector.load %arg3[%get3A_10, %get3A_11] : memref<10000x16xf32, #tpu.memory_space<vmem>>, vector<10000x16xf32>
    %add3A_13 = arith.addf %add3A_9, %get3A_12 : vector<10000x16xf32>
    %get3A_14 = arith.constant 0 : index
    %get3A_15 = arith.constant 0 : index
    %get3A_16 = vector.load %arg4[%get3A_14, %get3A_15] : memref<1x16xf32, #tpu.memory_space<vmem>>, vector<1x16xf32>
    %add3A_17 = vector.broadcast %get3A_16 : vector<1x16xf32> to vector<10000x16xf32>
    %add3A_18 = arith.addf %add3A_13, %add3A_17 : vector<10000x16xf32>
    %max3A = arith.constant 0.000000e+00 : f32
    %max3A_19 = vector.broadcast %max3A : f32 to vector<10000x16xf32>
    %max3A_20 = arith.maximumf %add3A_18, %max3A_19 : vector<10000x16xf32>
    %get3A_21 = arith.constant 0 : index
    %get3A_22 = arith.constant 0 : index
    %get3A_23 = vector.load %arg5[%get3A_21, %get3A_22] : memref<16x16xf32, #tpu.memory_space<vmem>>, vector<16x16xf32>
    %dot_general3A = arith.constant dense<0.000000e+00> : vector<10000x16xf32>
    %dot_general3A_24 = tpu.matmul %max3A_20, %get3A_23, %dot_general3A {dimension_numbers = #tpu.dot_dimension_numbers<[1], [0], [0], [1], [0, 0, 1, 1], [], []>, precision = #tpu.contract_precision<fp32>, transpose_lhs_hint = false} : vector<10000x16xf32>, vector<16x16xf32>, vector<10000x16xf32> -> vector<10000x16xf32>
    %get3A_25 = arith.constant 0 : index
    %get3A_26 = arith.constant 0 : index
    %get3A_27 = vector.load %arg6[%get3A_25, %get3A_26] : memref<1x16xf32, #tpu.memory_space<vmem>>, vector<1x16xf32>
    %add3A_28 = vector.broadcast %get3A_27 : vector<1x16xf32> to vector<10000x16xf32>
    %add3A_29 = arith.addf %dot_general3A_24, %add3A_28 : vector<10000x16xf32>
    %reduce_max3A = arith.constant dense<0xFF800000> : vector<10000xf32>
    %reduce_max3A_30 = vector.multi_reduction <maximumf>, %add3A_29, %reduce_max3A [1] : vector<10000x16xf32> to vector<10000xf32>
    %broadcast_in_dim3A = vector.shape_cast %reduce_max3A_30 : vector<10000xf32> to vector<10000x1xf32>
    %sub3A = vector.broadcast %broadcast_in_dim3A : vector<10000x1xf32> to vector<10000x16xf32>
    %sub3A_31 = arith.subf %add3A_29, %sub3A : vector<10000x16xf32>
    %exp3A = math.exp %sub3A_31 : vector<10000x16xf32>
    %reduce_sum3A = arith.constant dense<0.000000e+00> : vector<10000xf32>
    %reduce_sum3A_32 = vector.multi_reduction <add>, %exp3A, %reduce_sum3A [1] : vector<10000x16xf32> to vector<10000xf32>
    %broadcast_in_dim3A_33 = vector.shape_cast %reduce_sum3A_32 : vector<10000xf32> to vector<10000x1xf32>
    %log3A = math.log %broadcast_in_dim3A_33 : vector<10000x1xf32>
    %sub3A_34 = vector.broadcast %log3A : vector<10000x1xf32> to vector<10000x16xf32>
    %sub3A_35 = arith.subf %sub3A_31, %sub3A_34 : vector<10000x16xf32>
    %swap3A = arith.constant 0 : index
    %swap3A_36 = arith.constant 0 : index
    %swap3A_37 = vector.load %arg7[%swap3A, %swap3A_36] : memref<10000x16xf32, #tpu.memory_space<vmem>>, vector<10000x16xf32>
    tpu.vector_store %arg7[%swap3A, %swap3A_36], %sub3A_35 {strides = array<i32>} : memref<10000x16xf32, #tpu.memory_space<vmem>>, vector<10000x16xf32>,
    return
  }
}

</mosaic_0001>

<sc_bundles>
// kernel: kernel.10.cloned.1.call-start
scs
__scs_entry_jumppad:
0x0: {  	(pc) =	sbr.rel $0x88, $3  }
0x1: {  	(tag) =	ssettag $0x0;
	lr =	simm.s32 $0x1  }
0x2: {  	[smem:$0x3F95] =	sst lr;
	_ =	strace $0xD0000000  }
0x3: {  	_ = 	snop  }
0x4: {  	_ = 	snop  }
0x5: {  	_ = 	snop  }
0x6: {  	_ = 	snop  }
0x7: {  	_ = 	snop  }
__scs_overlays_trampoline_lowered:
0x8: {  	[smem:$0x3FA4] =	sst s0  }
0x9: {  	[smem:$0x3FA5] =	sst s1  }
0xa: {  	[smem:$0x3FA6] =	sst s2  }
0xb: {  	[smem:$0x3FA7] =	sst s3  }
0xc: {  	[smem:$0x3FA8] =	sst s4  }
0xd: {  	[smem:$0x3FA9] =	sst s5  }
0xe: {  	[smem:$0x3FAA] =	sst s6  }
0xf: {  	[smem:$0x3FAB] =	sst s7  }
0x10: {  	[smem:$0x3FAC] =	sst s8  }
0x11: {  	[smem:$0x3FAD] =	sst s9;
	s0 =	simm.s32 @!p0 $0x0  }
0x12: {  	s1 =	sld [smem:$0x3F93];
	s0 =	simm.s32 @p0 $0x1  }
0x13: {  	[smem:$0x3FAE] =	sst s0;
	s0 =	simm.s32 @!p1 $0x0  }
0x14: {  	s2 =	sld [smem:$0x3F92];
	s0 =	simm.s32 @p1 $0x1  }
0x15: {  	[smem:$0x3FAF] =	sst s0;
	s0 =	simm.s32 @!p2 $0x0  }
0x16: {  	s3 =	sld [smem:$0x3FDB];
	s0 =	simm.s32 @p2 $0x1  }
0x17: {  	s4 =	simm.s32 $0x1BF5;
	[smem:$0x3FB1] =	sst s0  }
0x18: {  	s0 =	sld [smem:$0x3F94];
	_ =	swait.ge [sflag:s4], $0x0  }
0x19: {  	s7 =	sld [smem:$0x3F95]  }
0x1a: {  	s8 =	sadd.s32 $0xFFFFE003, lr  }
0x1b: {  	s9 =	sadd.s32 $0xFFFFFEF7, lr;
	s5 =	simm.s32 $0xFFFFFFFF;
	p2 =	slt.u32 s8, $0xFFFFF086  }
0x1c: {  	p1 =	slt.u32 s9, $0xF7A;
	s5 =	simm.s32 @!p2 $0x0  }
0x1d: {  	s5 =	simm.s32 @p1 $0x1;
	p0 =	seq.s32 s7, s2  }
0x1e: {  	s7 =	smul.u32 @!p0 $0xF7A, s2;
	p2 =	seq.s32 @!p0 s5, $0x0  }
0x1f: {  	s9 =	smul.u32 $0xF7A, s1;
	s8 =	simm.s32 @!p0 $0x1BF5;
	p2 =	por !p2, p0  }
0x20: {  	[sflag:s8] =	ssyncset.s32 @!p0 $0xFFFFF086;
	s6 =	sadd.s32 @!p0 s3, s7;
	s7 =	simm.s32 @!p0 $0x108  }
0x21: {  	s3 =	sadd.s32 s3, s9;
	s6 =	sadd.s32 @!p0 $0x88, s6;
	s7 =	simm.s32 @p2 $0x1082  }
0x22: {  	[simem:s7], [sflag:s8] =	dma.local @!p0 [hbm:s6], $0xF7A  }
0x23: {  	s9 =	sor.u32 $0xD0000000, s2;
	s6 =	simm.s32 $0x108;
	_ =	swait.ge @!p0 [sflag:s8], $0x0  }
0x24: {  	s3 =	sadd.s32 $0x88, s3;
	s6 =	simm.s32 @!p1 $0x1082;
	[sflag:s4] =	ssyncset.s32 $0xFFFFF086  }
0x25: {  	[simem:s6], [sflag:s4] =	dma.local [hbm:s3], $0xF7A  }
0x26: {  	[smem:$0x3F95] =	sst s1;
	(tag) =	ssettag s2;
	_ =	strace s9  }
0x27: {  	s1 =	sld [smem:$0x3FA5]  }
0x28: {  	s2 =	sld [smem:$0x3FA6]  }
0x29: {  	s4 =	sld [smem:$0x3FA8]  }
0x2a: {  	p0 =	seq.s32 s5, $0x0;
	s5 =	sld [smem:$0x3FA9]  }
0x2b: {  	s6 =	sld [smem:$0x3FAA]  }
0x2c: {  	s7 =	sld [smem:$0x3FAB]  }
0x2d: {  	s3 =	simm.s32 $0x108;
	s8 =	sld [smem:$0x3FAC]  }
0x2e: {  	s3 =	simm.s32 @!p0 $0x1082;
	s9 =	sld [smem:$0x3FAD]  }
0x2f: {  	lr =	sadd.s32 s0, s3;
	s0 =	sld [smem:$0x3FA4]  }
0x30: {  	s3 =	sld [smem:$0x3FA7]  }
0x31: {  	[smem:$0x3FB0] =	sst s10  }
0x32: {  	s10 =	sld [smem:$0x3FAE];
	_ =	sdelay $0x3  }
0x33: {  	p0 =	seq.s32 s10, $0x1;
	s10 =	sld [smem:$0x3FB0];
	_ =	sdelay $0x3  }
0x34: {  	[smem:$0x3FB0] =	sst s10  }
0x35: {  	s10 =	sld [smem:$0x3FAF];
	_ =	sdelay $0x3  }
0x36: {  	p1 =	seq.s32 s10, $0x1;
	s10 =	sld [smem:$0x3FB0];
	_ =	sdelay $0x3  }
0x37: {  	[smem:$0x3FB0] =	sst s10  }
0x38: {  	s10 =	sld [smem:$0x3FB1]  }
0x39: {  	_ = 	snop;
	(pc) =	sbr.ind lr, $3  }
0x3a: {  	_ = 	snop  }
0x3b: {  	_ = 	snop  }
0x3c: {  	p2 =	seq.s32 s10, $0x1;
	s10 =	sld [smem:$0x3FB0]  }
0x3d: {  	_ =	shalt  }
0x3e: {  	_ =	shalt  }
0x3f: {  	_ =	shalt  }
0x40: {  	_ =	shalt  }
0x41: {  	_ =	shalt  }
0x42: {  	_ =	shalt  }
0x43: {  	_ =	shalt  }
0x44: {  	_ =	shalt  }
0x45: {  	_ =	shalt  }
0x46: {  	_ =	shalt  }
0x47: {  	_ =	shalt  }
0x48: {  	_ =	shalt  }
0x49: {  	_ =	shalt  }
0x4a: {  	_ =	shalt  }
0x4b: {  	_ =	shalt  }
0x4c: {  	_ =	shalt  }
0x4d: {  	_ =	shalt  }
0x4e: {  	_ =	shalt  }
0x4f: {  	_ =	shalt  }
0x50: {  	_ =	shalt  }
0x51: {  	_ =	shalt  }
0x52: {  	_ =	shalt  }
0x53: {  	_ =	shalt  }
0x54: {  	_ =	shalt  }
0x55: {  	_ =	shalt  }
0x56: {  	_ =	shalt  }
0x57: {  	_ =	shalt  }
0x58: {  	_ =	shalt  }
0x59: {  	_ =	shalt  }
0x5a: {  	_ =	shalt  }
0x5b: {  	_ =	shalt  }
0x5c: {  	_ =	shalt  }
0x5d: {  	_ =	shalt  }
0x5e: {  	_ =	shalt  }
0x5f: {  	_ =	shalt  }
0x60: {  	_ =	shalt  }
0x61: {  	_ =	shalt  }
0x62: {  	_ =	shalt  }
0x63: {  	_ =	shalt  }
0x64: {  	_ =	shalt  }
0x65: {  	_ =	shalt  }
0x66: {  	_ =	shalt  }
0x67: {  	_ =	shalt  }
0x68: {  	_ =	shalt  }
0x69: {  	_ =	shalt  }
0x6a: {  	_ =	shalt  }
0x6b: {  	_ =	shalt  }
0x6c: {  	_ =	shalt  }
0x6d: {  	_ =	shalt  }
0x6e: {  	_ =	shalt  }
0x6f: {  	_ =	shalt  }
0x70: {  	_ =	shalt  }
0x71: {  	_ =	shalt  }
0x72: {  	_ =	shalt  }
0x73: {  	_ =	shalt  }
0x74: {  	_ =	shalt  }
0x75: {  	_ =	shalt  }
0x76: {  	_ =	shalt  }
0x77: {  	_ =	shalt  }
0x78: {  	_ =	shalt  }
0x79: {  	_ =	shalt  }
0x7a: {  	_ =	shalt  }
0x7b: {  	_ =	shalt  }
0x7c: {  	_ =	shalt  }
0x7d: {  	_ =	shalt  }
0x7e: {  	_ =	shalt  }
0x7f: {  	_ =	shalt  }
0x80: {  	_ =	shalt  }
0x81: {  	_ =	shalt  }
0x82: {  	_ =	shalt  }
0x83: {  	_ =	shalt  }
0x84: {  	_ =	shalt  }
0x85: {  	_ =	shalt  }
0x86: {  	_ =	shalt  }
0x87: {  	_ =	shalt  }
.Lfunc_end0:
.L_simem_size_0:
called_computation.1_lowered:
.L_overlay_start_0:
0x88: {  	s2 =	sld [smem:$0x3FD9]  }
0x89: {  	s3 =	sld [smem:$0x3FFE];
	_ =	sdelay $0x1  }
0x8a: {  	s1 =	srdreg.scid  }
0x8b: {  	s0 =	sand.u32 $0x1, s1  }
0x8c: {  	s17 =	sshll.u32 s0, $0xA;
	s2 =	sadd.s32 s3, s2  }
0x8d: {  	s2 =	sadd.s32 s2, s17  }
0x8e: {  	[smem:$0x3FBC] =	sst s2  }
0x8f: {  	_ = 	snop  }
0x90: {  	s2 =	sld [smem:$0x3FD0];
	(tm) =	ssettm $0x1  }
0x91: {  	s18 =	sld [smem:$0x3FFB];
	_ =	sdelay $0x3  }
0x92: {  	_ =	strace s18  }
0x93: {  	s3 =	sld [smem:$0x3FFC];
	_ =	sdelay $0x3  }
0x94: {  	_ =	strace s3  }
0x95: {  	s3 =	sld [smem:$0x3FFD];
	_ =	sdelay $0x3  }
0x96: {  	_ =	strace s3  }
0x97: {  	_ =	strace $0x8FFFFFFF  }
0x98: {  	s19 =	sld [smem:$0x3FDB];
	_ =	sdelay $0x1  }
0x99: {  	s4 =	simm.s32 $_scs_section_size  }
0x9a: {  	s5 =	simm.s32 $_size__tile_overlayer_lowered;
	s6 =	simm.s32 $_tile_overlayer_lowered  }
0x9b: {  	s22 =	simm.s32 $0x1BFF;
	s21 =	sshll.u32 s6, $0x1;
	s3 =	sadd.s32 s4, s19  }
0x9c: {  	s7 =	simm.s32 $0x0;
	s20 =	sshll.u32 s5, $0x1;
	s5 =	sadd.s32 s21, s3  }
0x9d: {  	[timem:s7], [sflag:s22] =	dma.local [hbm:s5], s20  }
0x9e: {  	_ =	swait.ge [sflag:s22], s20  }
0x9f: {  	s4 =	ssub.s32 $0x0, s20;
	[sflag:s22] =	ssyncset.done $0x0  }
0xa0: {  	[sflag:s22] =	ssyncadd.s32 s4;
	_ =	sdelay $0x1  }
0xa1: {  	s23 =	simm.s32 $0x1B8B  }
0xa2: {  	_ =	swait.ge [sflag:s23], $0x1  }
0xa3: {  	[sflag:s23] =	ssyncset.done $0x0  }
0xa4: {  	s25 =	simm.s32 $0x1B8E;
	s24 =	sld [smem:$0x3FFE];
	[sflag:s23] =	ssyncadd.s32 $0xFFFFFFFF  }
0xa5: {  	s26 =	simm.s32 $execute0_lowered;
	[smem:$0x3FD2] =	sst s25  }
0xa6: {  	s5 =	sshll.u32 s26, $0x1;
	_ =	strace $0x80000049;
	[dreg:$0x1] =	wrdreg $0xFFFFFFFF  }
0xa7: {  	s28 =	simm.s32 $_size_execute0_lowered;
	s3 =	sadd.s32 s3, s5;
	[dreg:$0x0] =	wrdreg $0x0  }
0xa8: {  	s5 =	sshll.u32 s28, $0x1;
	[dreg:$0x2] =	wrdreg s3  }
0xa9: {  	[dreg:$0x3] =	wrdreg s5  }
0xaa: {  	[dreg:$0x4] =	wrdreg $0xC0  }
0xab: {  	_ =	task [dreg:s7], $0x5FFFF  }
0xac: {  	[dreg:$0x1] =	wrdreg $0xFFFFFFFF  }
0xad: {  	[dreg:$0x0] =	wrdreg $0x60  }
0xae: {  	[dreg:$0x2] =	wrdreg s2  }
0xaf: {  	[dreg:$0x3] =	wrdreg s24  }
0xb0: {  	[dreg:$0x4] =	wrdreg $0x62000  }
0xb1: {  	[dreg:$0x5] =	wrdreg $0x9  }
0xb2: {  	_ =	task.clear_ibuf [dreg:s7], $0x6FFFF;
	_ =	strace $0x90000049  }
0xb3: {  	s29 =	simm.s32 $0x9;
	_ =	strace $0x8000004B  }
0xb4: {  	_ =	swait.ge [sflag:s29], $0x1  }
0xb5: {  	[sflag:s29] =	ssyncadd.s32 $0xFFFFFFFF  }
0xb6: {  	_ =	strace $0x9000004B  }
0xb7: {  	_ =	sfence  }
0xb8: {  	s30 =	sld [smem:$0x0];
	_ =	sdelay $0x2  }
0xb9: {  	s31 =	sshll.u32 s1, $0xD;
	s1 =	sshrl.u32 s1, $0x2  }
0xba: {  	s3 =	sand.u32 $0x4000, s31;
	s1 =	sadd.s32 s1, s30  }
0xbb: {  	s0 =	sor.u32 s3, s0;
	s1 =	sshll.u32 s1, $0x11  }
0xbc: {  	s0 =	sor.u32 s1, s0  }
0xbd: {  	s0 =	sadd.s32 $0x8F2B, s0  }
0xbe: {  	[sflag:s0] =	ssyncadd.remote.s32 $0x1  }
0xbf: {  	_ =	sfence.sel $0xFFFF  }
0xc0: {  	[dreg:$0x0] =	wrdreg $0xFFFFFFFF;
	(pc) =	sbr.abs _section_cstart, $3  }
0xc1: {  	[dreg:$0x1] =	wrdreg $0xFFFFFFFF  }
0xc2: {  	_ =	task.clear_ibuf [dreg:s7], $0x2FFFF;
	_ =	strace $0x9FFFFFFF  }
0xc3: {  	(tm) =	ssettm $0x7FFFFFFF  }
tec
execute0_lowered:
.L_overlay_start_1:
0x0: {  	(tag) =	ssettag $0x1  }
0x1: {  	s1 =	rddreg [dreg:$0x0]  }
0x2: {  	s0 =	srdreg.scid;
	s6 =	rddreg [dreg:$0x1]  }
0x3: {  	s3 =	rddreg [dreg:$0x2];
	s4 =	simm.s32 $0x0;
	s14 =	simm.s32 $0x80  }
0x4: {  	s15 =	simm.s32 $0x5200;
	s16 =	simm.s32 $0x5A00;
	s17 =	simm.s32 $0x1  }
0x5: {  	s18 =	simm.s32 $0x2;
	s5 =	sand.u32 $0x1, s0;
	s0 =	stileid.u32  }
0x6: {  	s19 =	simm.s32 $0x0;
	[smem:$0x7FF] =	sst s4;
	s8 =	smul.u32 $0x2780, s0  }
0x7: {  	s2 =	sshll.u32 s5, $0x4;
	s9 =	smul.u32 $0x27800, s5;
	s10 =	ssub.s32 $0x2, s5  }
0x8: {  	s5 =	sadd.s32 $0x16400, s6;
	s12 =	sshll.u32 s0, $0x6;
	s2 =	sor.u32 s0, s2  }
0x9: {  	s11 =	sshrl.u32 s10, $0x1;
	s12 =	sor.u32 $0x1C03, s12;
	s7 =	smul.u32 $0x520, s2  }
0xa: {  	s2 =	rddreg [dreg:$0x3];
	_ =	strace $0x8000004A;
	s9 =	sadd.s32 s8, s9  }
0xb: {  	s10 =	ssub.s32 s10, s11;
	s13 =	sadd.s32 s8, s3;
	s11 =	simm.s32 $0x2900  }
0xc: {  	s9 =	sshrl.u32 s9, $0x3;
	s13 =	sshrl.u32 s13, $0x3;
	s7 =	sadd.s32 s7, s6  }
0xd: {  	s9 =	sadd.s32 s9, s6;
	s6 =	sadd.s32 $0x1C00, s7;
	s7 =	sadd.s32 $0xC000, s7  }
0xe: {  	s8 =	sadd.s32 $0x16A00, s9;
	s9 =	smax.u32 s10, $0x1;
	s10 =	simm.s32 $0x3  }
.LBB2_1:
0xf: {  	[tilespmem:s4], [sflag:$0x3] =	stream.linear.gather [hbm4b:s6+s4], $0x2900, $0x38;
	[tilespmem:$0x8980] =	vst v63  }
0x10: {  	_ =	swait.ge [sflag:s10], $0x2900  }
0x11: {  	[sflag:s10] =	ssyncset.done $0x0  }
0x12: {  	[sflag:s10] =	ssyncadd.s32 $0xFFFFD700  }
0x13: {  	[tilespmem:s11], [sflag:$0x3] =	stream.linear.gather [hbm4b:s7+s4], $0x2900, $0x38;
	[tilespmem:$0x8980] =	vst v63  }
0x14: {  	_ =	swait.ge [sflag:s10], $0x2900  }
0x15: {  	[sflag:s10] =	ssyncset.done $0x0  }
0x16: {  	[sflag:s10] =	ssyncadd.s32 $0xFFFFD700  }
0x17: {  	[spmem:s13], [sflag:s12] =	dma.local [hbm:s5], $0x4F0  }
0x18: {  	_ =	swait.ge [sflag:s10], $0x4F0  }
0x19: {  	[sflag:s10] =	ssyncset.done $0x0  }
0x1a: {  	[sflag:s10] =	ssyncadd.s32 $0xFFFFFB10  }
0x1b: {  	[bflag:$0x0] =	sbarrier.arrive $0xFFFF  }
0x1c: {  	[tilespmem:s15], [sflag:$0x1] =	stream.indirect.gather [hbm4b:s1+s14], $0x10, s4, s14, $0xb8;
	[tilespmem:$0x8980] =	vst v63  }
0x1d: {  	_ = 	snop  }
0x1e: {  	[tilespmem:s16], [sflag:$0x2] =	stream.indirect.gather [hbm4b:s1+s14], $0x10, s14, s14, $0xb8;
	[tilespmem:$0x8980] =	vst v63  }
0x1f: {  	_ =	swait.ge [sflag:s17], $0x800  }
0x20: {  	[sflag:s17] =	ssyncset.done $0x0  }
0x21: {  	s20 =	simm.s32 $0x2900;
	[sflag:s17] =	ssyncadd.s32 $0xFFFFF800  }
0x22: {  	[spmem:s3] =	stream.indirect.scatter.add.f32 [tilespmem:s15], [sflag:$0x3], $0x10, s20, s14, $0xb8;
	[tilespmem:$0x8980] =	vst v63  }
0x23: {  	_ =	swait.ge [sflag:s10], $0x800  }
0x24: {  	[sflag:s10] =	ssyncset.done $0x0  }
0x25: {  	s30 =	simm.s32 $0x100;
	[sflag:s10] =	ssyncadd.s32 $0xFFFFF800  }
0x26: {  	[tilespmem:s15], [sflag:$0x1] =	stream.indirect.gather [hbm4b:s1+s14], $0x10, s30, s14, $0xb8;
	[tilespmem:$0x8980] =	vst v63  }
0x27: {  	_ =	swait.ge [sflag:s18], $0x800  }
0x28: {  	[sflag:s18] =	ssyncset.done $0x0  }
0x29: {  	s31 =	simm.s32 $0x2980;
	[sflag:s18] =	ssyncadd.s32 $0xFFFFF800  }
0x2a: {  	[spmem:s3] =	stream.indirect.scatter.add.f32 [tilespmem:s16], [sflag:$0x3], $0x10, s31, s14, $0xb8;
	[tilespmem:$0x8980] =	vst v63  }
0x2b: {  	_ =	swait.ge [sflag:s10], $0x800  }
0x2c: {  	[sflag:s10] =	ssyncset.done $0x0  }
0x2d: {  	s21 =	simm.s32 $0x180;
	s20 =	simm.s32 $0x400;
	[sflag:s10] =	ssyncadd.s32 $0xFFFFF800  }
.LBB2_2:
0x2e: {  	[tilespmem:s16], [sflag:$0x2] =	stream.indirect.gather [hbm4b:s1+s14], $0x10, s21, s14, $0xb8;
	[tilespmem:$0x8980] =	vst v63  }
0x2f: {  	s21 =	smov.u32 s20  }
0x30: {  	p0 =	sne.s32 s20, $0x9C00;
	s20 =	sadd.s32 $0x400, s20;
	_ =	swait.ge [sflag:s17], $0x800  }
0x31: {  	s21 =	sshra.s32 s21, $0x2;
	[sflag:s17] =	ssyncset.done $0x0  }
0x32: {  	s22 =	sadd.s32 $0x2900, s21;
	[sflag:s17] =	ssyncadd.s32 $0xFFFFF800  }
0x33: {  	[spmem:s3] =	stream.indirect.scatter.add.f32 [tilespmem:s15], [sflag:$0x3], $0x10, s22, s14, $0xb8;
	[tilespmem:$0x8980] =	vst v63  }
0x34: {  	_ =	swait.ge [sflag:s10], $0x800  }
0x35: {  	[sflag:s10] =	ssyncset.done $0x0  }
0x36: {  	s22 =	sadd.s32 $0x100, s21;
	[sflag:s10] =	ssyncadd.s32 $0xFFFFF800  }
0x37: {  	[tilespmem:s15], [sflag:$0x1] =	stream.indirect.gather [hbm4b:s1+s14], $0x10, s22, s14, $0xb8;
	[tilespmem:$0x8980] =	vst v63  }
0x38: {  	_ =	swait.ge [sflag:s18], $0x800  }
0x39: {  	[sflag:s18] =	ssyncset.done $0x0  }
.Ltmp0:
0x3a: {  	s22 =	sadd.s32 $0x2980, s21;
	[sflag:s18] =	ssyncadd.s32 $0xFFFFF800;
	(pc) =	sbr.rel @p0 .LBB2_2-.Ltmp0, $4  }
0x3b: {  	[spmem:s3] =	stream.indirect.scatter.add.f32 [tilespmem:s16], [sflag:$0x3], $0x10, s22, s14, $0xb8;
	[tilespmem:$0x8980] =	vst v63  }
0x3c: {  	_ =	swait.ge [sflag:s10], $0x800  }
0x3d: {  	[sflag:s10] =	ssyncset.done $0x0  }
0x3e: {  	s21 =	sadd.s32 $0x180, s21;
	[sflag:s10] =	ssyncadd.s32 $0xFFFFF800  }
0x3f: {  	[tilespmem:s16], [sflag:$0x2] =	stream.indirect.gather [hbm4b:s1+s14], $0x10, s21, s14, $0xb8;
	[tilespmem:$0x8980] =	vst v63  }
0x40: {  	_ =	swait.ge [sflag:s17], $0x800  }
0x41: {  	[sflag:s17] =	ssyncset.done $0x0  }
0x42: {  	[sflag:s17] =	ssyncadd.s32 $0xFFFFF800  }
0x43: {  	_ =	swait.ge [sflag:s18], $0x800  }
0x44: {  	s19 =	sadd.s32 $0x1, s19;
	[sflag:s18] =	ssyncset.done $0x0  }
0x45: {  	p0 =	sne.s32 s19, s9;
	[sflag:s18] =	ssyncadd.s32 $0xFFFFF800  }
.Ltmp1:
0x46: {  	[bflag:$0x0] =	sbarrier.arrive $0xFFFF;
	(pc) =	sbr.rel @p0 .LBB2_1-.Ltmp1, $4  }
0x47: {  	[hbm:s8], [sflag:s12] =	dma.local [spmem:s13], $0x4F0  }
0x48: {  	_ =	swait.ge [sflag:s10], $0x4F0  }
0x49: {  	[sflag:s10] =	ssyncset.done $0x0  }
0x4a: {  	[sflag:s10] =	ssyncadd.s32 $0xFFFFFB10  }
0x4b: {  	_ =	sfence.sel $0x180000  }
0x4c: {  	[bflag:$0x0] =	sbarrier.arrive $0xFFFF  }
0x4d: {  	p0 =	sne.s32 s0, $0x0;
	_ =	strace $0x9000004A  }
0x4e: {  	s0 =	sadd.s32 @!p0 $0x100000, s2;
	[bflag:$0x2] =	sbarrier.arrive $0xFFFF  }
0x4f: {  	[sflag:s0] =	ssyncadd.tile.s32 @!p0 $0x1;
	_ =	shalt  }
.Lfunc_end2:
_tile_overlayer_lowered:
.L_overlay_start_2:
0x50: {  	(tag) =	ssettag $0x2  }
0x51: {  	s0 =	rddreg [dreg:$0x0];
	s2 =	stileid.u32  }
0x52: {  	s1 =	rddreg [dreg:$0x1];
	p0 =	sne.s32 s2, $0x0  }
0x53: {  	s3 =	rddreg [dreg:$0x2];
	[bflag:$0x3] =	sbarrier.arrive $0xFFFF;
	s2 =	simm.s32 @!p0 $0x1C03  }
0x54: {  	[timem:s3], [sflag:s2] =	dma.local @!p0 [hbm:s0], s1  }
0x55: {  	s0 =	simm.s32 @!p0 $0x3  }
0x56: {  	_ =	swait.ge @!p0 [sflag:s0], s1  }
0x57: {  	s1 =	ssub.s32 @!p0 $0x0, s1;
	[sflag:s0] =	ssyncset.done @!p0 $0x0  }
0x58: {  	[sflag:s0] =	ssyncadd.s32 @!p0 s1  }
0x59: {  	[bflag:$0x3] =	sbarrier.arrive $0xFFFF  }
0x5a: {  	_ =	shalt  }

// kernel: kernel.7.cloned.1.call-start
scs
__scs_entry_jumppad:
0x0: {  	(pc) =	sbr.rel $0x88, $3  }
0x1: {  	(tag) =	ssettag $0x0;
	lr =	simm.s32 $0x1  }
0x2: {  	[smem:$0x3F95] =	sst lr;
	_ =	strace $0xD0000000  }
0x3: {  	_ = 	snop  }
0x4: {  	_ = 	snop  }
0x5: {  	_ = 	snop  }
0x6: {  	_ = 	snop  }
0x7: {  	_ = 	snop  }
__scs_overlays_trampoline_lowered:
0x8: {  	[smem:$0x3FA4] =	sst s0  }
0x9: {  	[smem:$0x3FA5] =	sst s1  }
0xa: {  	[smem:$0x3FA6] =	sst s2  }
0xb: {  	[smem:$0x3FA7] =	sst s3  }
0xc: {  	[smem:$0x3FA8] =	sst s4  }
0xd: {  	[smem:$0x3FA9] =	sst s5  }
0xe: {  	[smem:$0x3FAA] =	sst s6  }
0xf: {  	[smem:$0x3FAB] =	sst s7  }
0x10: {  	[smem:$0x3FAC] =	sst s8  }
0x11: {  	[smem:$0x3FAD] =	sst s9;
	s0 =	simm.s32 @!p0 $0x0  }
0x12: {  	s1 =	sld [smem:$0x3F93];
	s0 =	simm.s32 @p0 $0x1  }
0x13: {  	[smem:$0x3FAE] =	sst s0;
	s0 =	simm.s32 @!p1 $0x0  }
0x14: {  	s2 =	sld [smem:$0x3F92];
	s0 =	simm.s32 @p1 $0x1  }
0x15: {  	[smem:$0x3FAF] =	sst s0;
	s0 =	simm.s32 @!p2 $0x0  }
0x16: {  	s3 =	sld [smem:$0x3FDB];
	s0 =	simm.s32 @p2 $0x1  }
0x17: {  	s4 =	simm.s32 $0x1BF5;
	[smem:$0x3FB1] =	sst s0  }
0x18: {  	s0 =	sld [smem:$0x3F94];
	_ =	swait.ge [sflag:s4], $0x0  }
0x19: {  	s7 =	sld [smem:$0x3F95]  }
0x1a: {  	s8 =	sadd.s32 $0xFFFFE003, lr  }
0x1b: {  	s9 =	sadd.s32 $0xFFFFFEF7, lr;
	s5 =	simm.s32 $0xFFFFFFFF;
	p2 =	slt.u32 s8, $0xFFFFF086  }
0x1c: {  	p1 =	slt.u32 s9, $0xF7A;
	s5 =	simm.s32 @!p2 $0x0  }
0x1d: {  	s5 =	simm.s32 @p1 $0x1;
	p0 =	seq.s32 s7, s2  }
0x1e: {  	s7 =	smul.u32 @!p0 $0xF7A, s2;
	p2 =	seq.s32 @!p0 s5, $0x0  }
0x1f: {  	s9 =	smul.u32 $0xF7A, s1;
	s8 =	simm.s32 @!p0 $0x1BF5;
	p2 =	por !p2, p0  }
0x20: {  	[sflag:s8] =	ssyncset.s32 @!p0 $0xFFFFF086;
	s6 =	sadd.s32 @!p0 s3, s7;
	s7 =	simm.s32 @!p0 $0x108  }
0x21: {  	s3 =	sadd.s32 s3, s9;
	s6 =	sadd.s32 @!p0 $0x88, s6;
	s7 =	simm.s32 @p2 $0x1082  }
0x22: {  	[simem:s7], [sflag:s8] =	dma.local @!p0 [hbm:s6], $0xF7A  }
0x23: {  	s9 =	sor.u32 $0xD0000000, s2;
	s6 =	simm.s32 $0x108;
	_ =	swait.ge @!p0 [sflag:s8], $0x0  }
0x24: {  	s3 =	sadd.s32 $0x88, s3;
	s6 =	simm.s32 @!p1 $0x1082;
	[sflag:s4] =	ssyncset.s32 $0xFFFFF086  }
0x25: {  	[simem:s6], [sflag:s4] =	dma.local [hbm:s3], $0xF7A  }
0x26: {  	[smem:$0x3F95] =	sst s1;
	(tag) =	ssettag s2;
	_ =	strace s9  }
0x27: {  	s1 =	sld [smem:$0x3FA5]  }
0x28: {  	s2 =	sld [smem:$0x3FA6]  }
0x29: {  	s4 =	sld [smem:$0x3FA8]  }
0x2a: {  	p0 =	seq.s32 s5, $0x0;
	s5 =	sld [smem:$0x3FA9]  }
0x2b: {  	s6 =	sld [smem:$0x3FAA]  }
0x2c: {  	s7 =	sld [smem:$0x3FAB]  }
0x2d: {  	s3 =	simm.s32 $0x108;
	s8 =	sld [smem:$0x3FAC]  }
0x2e: {  	s3 =	simm.s32 @!p0 $0x1082;
	s9 =	sld [smem:$0x3FAD]  }
0x2f: {  	lr =	sadd.s32 s0, s3;
	s0 =	sld [smem:$0x3FA4]  }
0x30: {  	s3 =	sld [smem:$0x3FA7]  }
0x31: {  	[smem:$0x3FB0] =	sst s10  }
0x32: {  	s10 =	sld [smem:$0x3FAE];
	_ =	sdelay $0x3  }
0x33: {  	p0 =	seq.s32 s10, $0x1;
	s10 =	sld [smem:$0x3FB0];
	_ =	sdelay $0x3  }
0x34: {  	[smem:$0x3FB0] =	sst s10  }
0x35: {  	s10 =	sld [smem:$0x3FAF];
	_ =	sdelay $0x3  }
0x36: {  	p1 =	seq.s32 s10, $0x1;
	s10 =	sld [smem:$0x3FB0];
	_ =	sdelay $0x3  }
0x37: {  	[smem:$0x3FB0] =	sst s10  }
0x38: {  	s10 =	sld [smem:$0x3FB1]  }
0x39: {  	_ = 	snop;
	(pc) =	sbr.ind lr, $3  }
0x3a: {  	_ = 	snop  }
0x3b: {  	_ = 	snop  }
0x3c: {  	p2 =	seq.s32 s10, $0x1;
	s10 =	sld [smem:$0x3FB0]  }
0x3d: {  	_ =	shalt  }
0x3e: {  	_ =	shalt  }
0x3f: {  	_ =	shalt  }
0x40: {  	_ =	shalt  }
0x41: {  	_ =	shalt  }
0x42: {  	_ =	shalt  }
0x43: {  	_ =	shalt  }
0x44: {  	_ =	shalt  }
0x45: {  	_ =	shalt  }
0x46: {  	_ =	shalt  }
0x47: {  	_ =	shalt  }
0x48: {  	_ =	shalt  }
0x49: {  	_ =	shalt  }
0x4a: {  	_ =	shalt  }
0x4b: {  	_ =	shalt  }
0x4c: {  	_ =	shalt  }
0x4d: {  	_ =	shalt  }
0x4e: {  	_ =	shalt  }
0x4f: {  	_ =	shalt  }
0x50: {  	_ =	shalt  }
0x51: {  	_ =	shalt  }
0x52: {  	_ =	shalt  }
0x53: {  	_ =	shalt  }
0x54: {  	_ =	shalt  }
0x55: {  	_ =	shalt  }
0x56: {  	_ =	shalt  }
0x57: {  	_ =	shalt  }
0x58: {  	_ =	shalt  }
0x59: {  	_ =	shalt  }
0x5a: {  	_ =	shalt  }
0x5b: {  	_ =	shalt  }
0x5c: {  	_ =	shalt  }
0x5d: {  	_ =	shalt  }
0x5e: {  	_ =	shalt  }
0x5f: {  	_ =	shalt  }
0x60: {  	_ =	shalt  }
0x61: {  	_ =	shalt  }
0x62: {  	_ =	shalt  }
0x63: {  	_ =	shalt  }
0x64: {  	_ =	shalt  }
0x65: {  	_ =	shalt  }
0x66: {  	_ =	shalt  }
0x67: {  	_ =	shalt  }
0x68: {  	_ =	shalt  }
0x69: {  	_ =	shalt  }
0x6a: {  	_ =	shalt  }
0x6b: {  	_ =	shalt  }
0x6c: {  	_ =	shalt  }
0x6d: {  	_ =	shalt  }
0x6e: {  	_ =	shalt  }
0x6f: {  	_ =	shalt  }
0x70: {  	_ =	shalt  }
0x71: {  	_ =	shalt  }
0x72: {  	_ =	shalt  }
0x73: {  	_ =	shalt  }
0x74: {  	_ =	shalt  }
0x75: {  	_ =	shalt  }
0x76: {  	_ =	shalt  }
0x77: {  	_ =	shalt  }
0x78: {  	_ =	shalt  }
0x79: {  	_ =	shalt  }
0x7a: {  	_ =	shalt  }
0x7b: {  	_ =	shalt  }
0x7c: {  	_ =	shalt  }
0x7d: {  	_ =	shalt  }
0x7e: {  	_ =	shalt  }
0x7f: {  	_ =	shalt  }
0x80: {  	_ =	shalt  }
0x81: {  	_ =	shalt  }
0x82: {  	_ =	shalt  }
0x83: {  	_ =	shalt  }
0x84: {  	_ =	shalt  }
0x85: {  	_ =	shalt  }
0x86: {  	_ =	shalt  }
0x87: {  	_ =	shalt  }
.Lfunc_end0:
.L_simem_size_0:
called_computation_lowered:
.L_overlay_start_0:
0x88: {  	s2 =	sld [smem:$0x3FD9]  }
0x89: {  	s3 =	sld [smem:$0x3FFE];
	_ =	sdelay $0x1  }
0x8a: {  	s1 =	srdreg.scid  }
0x8b: {  	s0 =	sand.u32 $0x1, s1  }
0x8c: {  	s17 =	sshll.u32 s0, $0xA;
	s2 =	sadd.s32 s3, s2  }
0x8d: {  	s2 =	sadd.s32 s2, s17  }
0x8e: {  	[smem:$0x3FBC] =	sst s2  }
0x8f: {  	_ = 	snop  }
0x90: {  	s2 =	sld [smem:$0x3FD0];
	(tm) =	ssettm $0x1  }
0x91: {  	s18 =	sld [smem:$0x3FFB];
	_ =	sdelay $0x3  }
0x92: {  	_ =	strace s18  }
0x93: {  	s3 =	sld [smem:$0x3FFC];
	_ =	sdelay $0x3  }
0x94: {  	_ =	strace s3  }
0x95: {  	s3 =	sld [smem:$0x3FFD];
	_ =	sdelay $0x3  }
0x96: {  	_ =	strace s3  }
0x97: {  	_ =	strace $0x8FFFFFFF  }
0x98: {  	s19 =	sld [smem:$0x3FDB];
	_ =	sdelay $0x1  }
0x99: {  	s4 =	simm.s32 $_scs_section_size  }
0x9a: {  	s5 =	simm.s32 $_size__tile_overlayer_lowered;
	s6 =	simm.s32 $_tile_overlayer_lowered  }
0x9b: {  	s22 =	simm.s32 $0x1BFF;
	s21 =	sshll.u32 s6, $0x1;
	s3 =	sadd.s32 s4, s19  }
0x9c: {  	s7 =	simm.s32 $0x0;
	s20 =	sshll.u32 s5, $0x1;
	s5 =	sadd.s32 s21, s3  }
0x9d: {  	[timem:s7], [sflag:s22] =	dma.local [hbm:s5], s20  }
0x9e: {  	_ =	swait.ge [sflag:s22], s20  }
0x9f: {  	s4 =	ssub.s32 $0x0, s20;
	[sflag:s22] =	ssyncset.done $0x0  }
0xa0: {  	[sflag:s22] =	ssyncadd.s32 s4;
	_ =	sdelay $0x1  }
0xa1: {  	s23 =	simm.s32 $0x1B8B  }
0xa2: {  	_ =	swait.ge [sflag:s23], $0x1  }
0xa3: {  	[sflag:s23] =	ssyncset.done $0x0  }
0xa4: {  	s25 =	simm.s32 $0x1B8E;
	s24 =	sld [smem:$0x3FFE];
	[sflag:s23] =	ssyncadd.s32 $0xFFFFFFFF  }
0xa5: {  	s26 =	simm.s32 $execute0_lowered;
	[smem:$0x3FD2] =	sst s25  }
0xa6: {  	s5 =	sshll.u32 s26, $0x1;
	_ =	strace $0x80000046;
	[dreg:$0x1] =	wrdreg $0xFFFFFFFF  }
0xa7: {  	s28 =	simm.s32 $_size_execute0_lowered;
	s3 =	sadd.s32 s3, s5;
	[dreg:$0x0] =	wrdreg $0x0  }
0xa8: {  	s5 =	sshll.u32 s28, $0x1;
	[dreg:$0x2] =	wrdreg s3  }
0xa9: {  	[dreg:$0x3] =	wrdreg s5  }
0xaa: {  	[dreg:$0x4] =	wrdreg $0xC0  }
0xab: {  	_ =	task [dreg:s7], $0x5FFFF  }
0xac: {  	[dreg:$0x1] =	wrdreg $0xFFFFFFFF  }
0xad: {  	[dreg:$0x0] =	wrdreg $0x60  }
0xae: {  	[dreg:$0x2] =	wrdreg s2  }
0xaf: {  	[dreg:$0x3] =	wrdreg s24  }
0xb0: {  	[dreg:$0x4] =	wrdreg $0x62000  }
0xb1: {  	[dreg:$0x5] =	wrdreg $0x9  }
0xb2: {  	_ =	task.clear_ibuf [dreg:s7], $0x6FFFF;
	_ =	strace $0x90000046  }
0xb3: {  	s29 =	simm.s32 $0x9;
	_ =	strace $0x80000048  }
0xb4: {  	_ =	swait.ge [sflag:s29], $0x1  }
0xb5: {  	[sflag:s29] =	ssyncadd.s32 $0xFFFFFFFF  }
0xb6: {  	_ =	strace $0x90000048  }
0xb7: {  	_ =	sfence  }
0xb8: {  	s30 =	sld [smem:$0x0];
	_ =	sdelay $0x2  }
0xb9: {  	s31 =	sshll.u32 s1, $0xD;
	s1 =	sshrl.u32 s1, $0x2  }
0xba: {  	s3 =	sand.u32 $0x4000, s31;
	s1 =	sadd.s32 s1, s30  }
0xbb: {  	s0 =	sor.u32 s3, s0;
	s1 =	sshll.u32 s1, $0x11  }
0xbc: {  	s0 =	sor.u32 s1, s0  }
0xbd: {  	s0 =	sadd.s32 $0x8F2B, s0  }
0xbe: {  	[sflag:s0] =	ssyncadd.remote.s32 $0x1  }
0xbf: {  	_ =	sfence.sel $0xFFFF  }
0xc0: {  	[dreg:$0x0] =	wrdreg $0xFFFFFFFF;
	(pc) =	sbr.abs _section_cstart, $3  }
0xc1: {  	[dreg:$0x1] =	wrdreg $0xFFFFFFFF  }
0xc2: {  	_ =	task.clear_ibuf [dreg:s7], $0x2FFFF;
	_ =	strace $0x9FFFFFFF  }
0xc3: {  	(tm) =	ssettm $0x7FFFFFFF  }
tec
execute0_lowered:
.L_overlay_start_1:
0x0: {  	(tag) =	ssettag $0x1  }
0x1: {  	s1 =	rddreg [dreg:$0x0]  }
0x2: {  	s0 =	srdreg.scid;
	s6 =	rddreg [dreg:$0x1]  }
0x3: {  	s3 =	rddreg [dreg:$0x2];
	s4 =	simm.s32 $0x0;
	s14 =	simm.s32 $0x80  }
0x4: {  	s15 =	simm.s32 $0x5200;
	s16 =	simm.s32 $0x5A00;
	s17 =	simm.s32 $0x1  }
0x5: {  	s18 =	simm.s32 $0x2;
	s5 =	sand.u32 $0x1, s0;
	s0 =	stileid.u32  }
0x6: {  	s19 =	simm.s32 $0x0;
	[smem:$0x7FF] =	sst s4;
	s8 =	smul.u32 $0x2780, s0  }
0x7: {  	s2 =	sshll.u32 s5, $0x4;
	s9 =	smul.u32 $0x27800, s5;
	s10 =	ssub.s32 $0x2, s5  }
0x8: {  	s5 =	sadd.s32 $0x16400, s6;
	s12 =	sshll.u32 s0, $0x6;
	s2 =	sor.u32 s0, s2  }
0x9: {  	s11 =	sshrl.u32 s10, $0x1;
	s12 =	sor.u32 $0x1C03, s12;
	s7 =	smul.u32 $0x520, s2  }
0xa: {  	s2 =	rddreg [dreg:$0x3];
	_ =	strace $0x80000047;
	s9 =	sadd.s32 s8, s9  }
0xb: {  	s10 =	ssub.s32 s10, s11;
	s13 =	sadd.s32 s8, s3;
	s11 =	simm.s32 $0x2900  }
0xc: {  	s9 =	sshrl.u32 s9, $0x3;
	s13 =	sshrl.u32 s13, $0x3;
	s7 =	sadd.s32 s7, s6  }
0xd: {  	s9 =	sadd.s32 s9, s6;
	s6 =	sadd.s32 $0x1C00, s7;
	s7 =	sadd.s32 $0xC000, s7  }
0xe: {  	s8 =	sadd.s32 $0x16A00, s9;
	s9 =	smax.u32 s10, $0x1;
	s10 =	simm.s32 $0x3  }
.LBB2_1:
0xf: {  	[tilespmem:s4], [sflag:$0x3] =	stream.linear.gather [hbm4b:s6+s4], $0x2900, $0x38;
	[tilespmem:$0x8980] =	vst v63  }
0x10: {  	_ =	swait.ge [sflag:s10], $0x2900  }
0x11: {  	[sflag:s10] =	ssyncset.done $0x0  }
0x12: {  	[sflag:s10] =	ssyncadd.s32 $0xFFFFD700  }
0x13: {  	[tilespmem:s11], [sflag:$0x3] =	stream.linear.gather [hbm4b:s7+s4], $0x2900, $0x38;
	[tilespmem:$0x8980] =	vst v63  }
0x14: {  	_ =	swait.ge [sflag:s10], $0x2900  }
0x15: {  	[sflag:s10] =	ssyncset.done $0x0  }
0x16: {  	[sflag:s10] =	ssyncadd.s32 $0xFFFFD700  }
0x17: {  	[spmem:s13], [sflag:s12] =	dma.local [hbm:s5], $0x4F0  }
0x18: {  	_ =	swait.ge [sflag:s10], $0x4F0  }
0x19: {  	[sflag:s10] =	ssyncset.done $0x0  }
0x1a: {  	[sflag:s10] =	ssyncadd.s32 $0xFFFFFB10  }
0x1b: {  	[bflag:$0x0] =	sbarrier.arrive $0xFFFF  }
0x1c: {  	[tilespmem:s15], [sflag:$0x1] =	stream.indirect.gather [hbm4b:s1+s14], $0x10, s4, s14, $0xb8;
	[tilespmem:$0x8980] =	vst v63  }
0x1d: {  	_ = 	snop  }
0x1e: {  	[tilespmem:s16], [sflag:$0x2] =	stream.indirect.gather [hbm4b:s1+s14], $0x10, s14, s14, $0xb8;
	[tilespmem:$0x8980] =	vst v63  }
0x1f: {  	_ =	swait.ge [sflag:s17], $0x800  }
0x20: {  	[sflag:s17] =	ssyncset.done $0x0  }
0x21: {  	s20 =	simm.s32 $0x2900;
	[sflag:s17] =	ssyncadd.s32 $0xFFFFF800  }
0x22: {  	[spmem:s3] =	stream.indirect.scatter.add.f32 [tilespmem:s15], [sflag:$0x3], $0x10, s20, s14, $0xb8;
	[tilespmem:$0x8980] =	vst v63  }
0x23: {  	_ =	swait.ge [sflag:s10], $0x800  }
0x24: {  	[sflag:s10] =	ssyncset.done $0x0  }
0x25: {  	s30 =	simm.s32 $0x100;
	[sflag:s10] =	ssyncadd.s32 $0xFFFFF800  }
0x26: {  	[tilespmem:s15], [sflag:$0x1] =	stream.indirect.gather [hbm4b:s1+s14], $0x10, s30, s14, $0xb8;
	[tilespmem:$0x8980] =	vst v63  }
0x27: {  	_ =	swait.ge [sflag:s18], $0x800  }
0x28: {  	[sflag:s18] =	ssyncset.done $0x0  }
0x29: {  	s31 =	simm.s32 $0x2980;
	[sflag:s18] =	ssyncadd.s32 $0xFFFFF800  }
0x2a: {  	[spmem:s3] =	stream.indirect.scatter.add.f32 [tilespmem:s16], [sflag:$0x3], $0x10, s31, s14, $0xb8;
	[tilespmem:$0x8980] =	vst v63  }
0x2b: {  	_ =	swait.ge [sflag:s10], $0x800  }
0x2c: {  	[sflag:s10] =	ssyncset.done $0x0  }
0x2d: {  	s21 =	simm.s32 $0x180;
	s20 =	simm.s32 $0x400;
	[sflag:s10] =	ssyncadd.s32 $0xFFFFF800  }
.LBB2_2:
0x2e: {  	[tilespmem:s16], [sflag:$0x2] =	stream.indirect.gather [hbm4b:s1+s14], $0x10, s21, s14, $0xb8;
	[tilespmem:$0x8980] =	vst v63  }
0x2f: {  	s21 =	smov.u32 s20  }
0x30: {  	p0 =	sne.s32 s20, $0x9C00;
	s20 =	sadd.s32 $0x400, s20;
	_ =	swait.ge [sflag:s17], $0x800  }
0x31: {  	s21 =	sshra.s32 s21, $0x2;
	[sflag:s17] =	ssyncset.done $0x0  }
0x32: {  	s22 =	sadd.s32 $0x2900, s21;
	[sflag:s17] =	ssyncadd.s32 $0xFFFFF800  }
0x33: {  	[spmem:s3] =	stream.indirect.scatter.add.f32 [tilespmem:s15], [sflag:$0x3], $0x10, s22, s14, $0xb8;
	[tilespmem:$0x8980] =	vst v63  }
0x34: {  	_ =	swait.ge [sflag:s10], $0x800  }
0x35: {  	[sflag:s10] =	ssyncset.done $0x0  }
0x36: {  	s22 =	sadd.s32 $0x100, s21;
	[sflag:s10] =	ssyncadd.s32 $0xFFFFF800  }
0x37: {  	[tilespmem:s15], [sflag:$0x1] =	stream.indirect.gather [hbm4b:s1+s14], $0x10, s22, s14, $0xb8;
	[tilespmem:$0x8980] =	vst v63  }
0x38: {  	_ =	swait.ge [sflag:s18], $0x800  }
0x39: {  	[sflag:s18] =	ssyncset.done $0x0  }
.Ltmp0:
0x3a: {  	s22 =	sadd.s32 $0x2980, s21;
	[sflag:s18] =	ssyncadd.s32 $0xFFFFF800;
	(pc) =	sbr.rel @p0 .LBB2_2-.Ltmp0, $4  }
0x3b: {  	[spmem:s3] =	stream.indirect.scatter.add.f32 [tilespmem:s16], [sflag:$0x3], $0x10, s22, s14, $0xb8;
	[tilespmem:$0x8980] =	vst v63  }
0x3c: {  	_ =	swait.ge [sflag:s10], $0x800  }
0x3d: {  	[sflag:s10] =	ssyncset.done $0x0  }
0x3e: {  	s21 =	sadd.s32 $0x180, s21;
	[sflag:s10] =	ssyncadd.s32 $0xFFFFF800  }
0x3f: {  	[tilespmem:s16], [sflag:$0x2] =	stream.indirect.gather [hbm4b:s1+s14], $0x10, s21, s14, $0xb8;
	[tilespmem:$0x8980] =	vst v63  }
0x40: {  	_ =	swait.ge [sflag:s17], $0x800  }
0x41: {  	[sflag:s17] =	ssyncset.done $0x0  }
0x42: {  	[sflag:s17] =	ssyncadd.s32 $0xFFFFF800  }
0x43: {  	_ =	swait.ge [sflag:s18], $0x800  }
0x44: {  	s19 =	sadd.s32 $0x1, s19;
	[sflag:s18] =	ssyncset.done $0x0  }
0x45: {  	p0 =	sne.s32 s19, s9;
	[sflag:s18] =	ssyncadd.s32 $0xFFFFF800  }
.Ltmp1:
0x46: {  	[bflag:$0x0] =	sbarrier.arrive $0xFFFF;
	(pc) =	sbr.rel @p0 .LBB2_1-.Ltmp1, $4  }
0x47: {  	[hbm:s8], [sflag:s12] =	dma.local [spmem:s13], $0x4F0  }
0x48: {  	_ =	swait.ge [sflag:s10], $0x4F0  }
0x49: {  	[sflag:s10] =	ssyncset.done $0x0  }
0x4a: {  	[sflag:s10] =	ssyncadd.s32 $0xFFFFFB10  }
0x4b: {  	_ =	sfence.sel $0x180000  }
0x4c: {  	[bflag:$0x0] =	sbarrier.arrive $0xFFFF  }
0x4d: {  	p0 =	sne.s32 s0, $0x0;
	_ =	strace $0x90000047  }
0x4e: {  	s0 =	sadd.s32 @!p0 $0x100000, s2;
	[bflag:$0x2] =	sbarrier.arrive $0xFFFF  }
0x4f: {  	[sflag:s0] =	ssyncadd.tile.s32 @!p0 $0x1;
	_ =	shalt  }
.Lfunc_end2:
_tile_overlayer_lowered:
.L_overlay_start_2:
0x50: {  	(tag) =	ssettag $0x2  }
0x51: {  	s0 =	rddreg [dreg:$0x0];
	s2 =	stileid.u32  }
0x52: {  	s1 =	rddreg [dreg:$0x1];
	p0 =	sne.s32 s2, $0x0  }
0x53: {  	s3 =	rddreg [dreg:$0x2];
	[bflag:$0x3] =	sbarrier.arrive $0xFFFF;
	s2 =	simm.s32 @!p0 $0x1C03  }
0x54: {  	[timem:s3], [sflag:s2] =	dma.local @!p0 [hbm:s0], s1  }
0x55: {  	s0 =	simm.s32 @!p0 $0x3  }
0x56: {  	_ =	swait.ge @!p0 [sflag:s0], s1  }
0x57: {  	s1 =	ssub.s32 @!p0 $0x0, s1;
	[sflag:s0] =	ssyncset.done @!p0 $0x0  }
0x58: {  	[sflag:s0] =	ssyncadd.s32 @!p0 s1  }
0x59: {  	[bflag:$0x3] =	sbarrier.arrive $0xFFFF  }
0x5a: {  	_ =	shalt  }

</sc_bundles>
